<compile_context>
chip_gen: v7x
topology: tpu7x:2x2x1
jax: 0.10.2.dev20260603
libtpu: 0.0.44.dev20260713+nightly
codegen_flags: <defaults>
</compile_context>

<pallas_src>
import functools

import jax
import jax.numpy as jnp
from jax import lax
from jax.experimental import pallas as pl
from jax.experimental.pallas import tpu as pltpu
from jax.experimental.pallas import tpu_sc as plsc

N_NODES = 10000
N_EDGES = 320000
DIM = 128
NUM_EMB = 4
BN_EPS = 1e-5

NC = 2
NS = 16
LANES = 16
NW = NC * NS
CHUNK = 128
G = 80
GH = G // 2
E_PAD = NW * G * CHUNK
OWN_ROWS = 632
ACC_ROWS = NS * OWN_ROWS
LAST_ROWS = N_NODES - (NS - 1) * OWN_ROWS

TB_ROWS = 10000
MB_ROWS = 2000


def _table_body(x_ref, emb_ref, y_ref):
    xb = x_ref[...]
    for k in range(NUM_EMB):
        y_ref[k] = jnp.maximum(xb + emb_ref[k], 0.0)


def _build_table(x, emb):
    return pl.pallas_call(
        _table_body,
        grid=(N_NODES // TB_ROWS,),
        in_specs=[
            pl.BlockSpec((TB_ROWS, DIM), lambda i: (i, 0)),
            pl.BlockSpec((NUM_EMB, DIM), lambda i: (0, 0)),
        ],
        out_specs=pl.BlockSpec((NUM_EMB, TB_ROWS, DIM), lambda i: (0, i, 0)),
        out_shape=jax.ShapeDtypeStruct((NUM_EMB, N_NODES, DIM), jnp.float32),
    )(x, emb)


def _sc_aggregate(y_flat, gidx, didx):
    mesh = plsc.VectorSubcoreMesh(core_axis_name="c", subcore_axis_name="s",
                                  num_cores=NC, num_subcores=NS)

    @functools.partial(
        pl.kernel,
        out_type=jax.ShapeDtypeStruct((NC, N_NODES, DIM), jnp.float32),
        mesh=mesh,
        scratch_types=[
            pltpu.VMEM((GH, CHUNK), jnp.int32),
            pltpu.VMEM((GH, CHUNK), jnp.int32),
            pltpu.VMEM((CHUNK, DIM), jnp.float32),
            pltpu.VMEM((CHUNK, DIM), jnp.float32),
            pltpu.VMEM_SHARED((ACC_ROWS, DIM), jnp.float32),
            pltpu.SemaphoreType.DMA,
            pltpu.SemaphoreType.DMA,
            pltpu.SemaphoreType.DMA,
            pltpu.SemaphoreType.DMA,
        ],
    )
    def body(y_hbm, gidx_hbm, didx_hbm, out_hbm,
             gi_v, di_v, rows_a, rows_b, acc_sh,
             sem_ga, sem_gb, sem_sa, sem_sb):
        c = lax.axis_index("c")
        s = lax.axis_index("s")

        def zrow(r, carry):
            for j in range(DIM // LANES):
                rows_a[r, pl.ds(j * LANES, LANES)] = jnp.zeros(
                    (LANES,), jnp.float32)
            return carry
        lax.fori_loop(0, CHUNK, zrow, 0)
        base = s * OWN_ROWS
        nfull = OWN_ROWS // CHUNK
        rem = OWN_ROWS % CHUNK
        for j in range(nfull):
            pltpu.sync_copy(rows_a, acc_sh.at[pl.ds(base + j * CHUNK, CHUNK)])
        if rem:
            pltpu.sync_copy(rows_a.at[pl.ds(0, rem)],
                            acc_sh.at[pl.ds(base + nfull * CHUNK, rem)])

        npair = GH // 2
        for half in range(2):
            pltpu.sync_copy(gidx_hbm.at[c, s, pl.ds(half * GH, GH)], gi_v)
            pltpu.sync_copy(didx_hbm.at[c, s, pl.ds(half * GH, GH)], di_v)
            pltpu.async_copy(y_hbm.at[gi_v.at[0]], rows_a, sem_ga)
            pltpu.async_copy(y_hbm.at[gi_v.at[1]], rows_b, sem_gb)
            if half == 0:
                plsc.subcore_barrier()

            def pair_body(p, carry):
                g = 2 * p
                pltpu.make_async_copy(
                    y_hbm.at[gi_v.at[g]], rows_a, sem_ga).wait()
                sa = pltpu.async_copy(
                    rows_a, acc_sh.at[di_v.at[g]], sem_sa, add=True)
                pltpu.make_async_copy(
                    y_hbm.at[gi_v.at[g + 1]], rows_b, sem_gb).wait()
                sb = pltpu.async_copy(
                    rows_b, acc_sh.at[di_v.at[g + 1]], sem_sb, add=True)
                sa.wait()

                @pl.when(p < npair - 1)
                def _():
                    pltpu.async_copy(y_hbm.at[gi_v.at[g + 2]], rows_a,
                                     sem_ga)
                sb.wait()

                @pl.when(p < npair - 1)
                def _():
                    pltpu.async_copy(y_hbm.at[gi_v.at[g + 3]], rows_b,
                                     sem_gb)
                return carry
            lax.fori_loop(0, npair, pair_body, 0)

        plsc.subcore_barrier()
        out_c = out_hbm.at[c]

        @pl.when(s < NS - 1)
        def _():
            for j in range(nfull):
                r0 = base + j * CHUNK
                pltpu.sync_copy(acc_sh.at[pl.ds(r0, CHUNK)],
                                out_c.at[pl.ds(r0, CHUNK)])
            if rem:
                r0 = base + nfull * CHUNK
                pltpu.sync_copy(acc_sh.at[pl.ds(r0, rem)],
                                out_c.at[pl.ds(r0, rem)])

        @pl.when(s == NS - 1)
        def _():
            lfull = LAST_ROWS // CHUNK
            for j in range(lfull):
                r0 = base + j * CHUNK
                pltpu.sync_copy(acc_sh.at[pl.ds(r0, CHUNK)],
                                out_c.at[pl.ds(r0, CHUNK)])
            ltail = LAST_ROWS % CHUNK
            if ltail:
                r0 = base + lfull * CHUNK
                pltpu.sync_copy(acc_sh.at[pl.ds(r0, ltail)],
                                out_c.at[pl.ds(r0, ltail)])

    return body(y_flat, gidx, didx)


def _mlp_body(eps_ref, x_ref, a0_ref, a1_ref, w1_ref, b1_ref, g_ref, be_ref,
              w2_ref, b2_ref, out_ref, t_ref, st_ref):
    p = pl.program_id(0)
    i = pl.program_id(1)

    @pl.when(p == 0)
    def _phase0():
        e = eps_ref[0, 0]
        h = (1.0 + e) * x_ref[...] + a0_ref[...] + a1_ref[...]
        t = jnp.dot(h, w1_ref[...], preferred_element_type=jnp.float32)
        t = t + b1_ref[...]
        t_ref[pl.ds(i * MB_ROWS, MB_ROWS), :] = t
        ps = jnp.sum(t, axis=0, keepdims=True)
        pss = jnp.sum(t * t, axis=0, keepdims=True)

        @pl.when(i == 0)
        def _():
            st_ref[0:1] = ps
            st_ref[1:2] = pss

        @pl.when(i != 0)
        def _():
            st_ref[0:1] += ps
            st_ref[1:2] += pss

    @pl.when(p == 1)
    def _phase1():
        mean = st_ref[0:1] / N_NODES
        var = st_ref[1:2] / N_NODES - mean * mean
        t = t_ref[pl.ds(i * MB_ROWS, MB_ROWS), :]
        tn = (t - mean) * (lax.rsqrt(var + BN_EPS) * g_ref[...]) + be_ref[...]
        tn = jnp.maximum(tn, 0.0)
        out_ref[...] = jnp.dot(
            tn, w2_ref[...], preferred_element_type=jnp.float32) + b2_ref[...]


def _mlp(eps, x, a0, a1, w1, b1, gamma, beta, w2, b2):
    in_row_spec = pl.BlockSpec((MB_ROWS, DIM), lambda p, i: (i * (1 - p), 0))
    row_spec = pl.BlockSpec((MB_ROWS, DIM), lambda p, i: (i, 0))
    mat_spec = pl.BlockSpec((DIM, DIM), lambda p, i: (0, 0))
    vec_spec = pl.BlockSpec((1, DIM), lambda p, i: (0, 0))
    return pl.pallas_call(
        _mlp_body,
        grid=(2, N_NODES // MB_ROWS),
        in_specs=[
            pl.BlockSpec((1, 1), lambda p, i: (0, 0)),
            in_row_spec, in_row_spec, in_row_spec,
            mat_spec, vec_spec, vec_spec, vec_spec, mat_spec, vec_spec,
        ],
        out_specs=row_spec,
        out_shape=jax.ShapeDtypeStruct((N_NODES, DIM), jnp.float32),
        scratch_shapes=[
            pltpu.VMEM((N_NODES, DIM), jnp.float32),
            pltpu.VMEM((8, DIM), jnp.float32),
        ],
    )(eps, x, a0, a1, w1, b1, gamma, beta, w2, b2)


def kernel(x, edge_index, edge_attr, edge_emb, W1, b1, gamma, beta, W2, b2,
           eps):
    src = edge_index[0].astype(jnp.int32)
    dst = edge_index[1].astype(jnp.int32)
    attr = edge_attr.astype(jnp.int32)
    gidx = attr * N_NODES + src
    pad = E_PAD - N_EDGES
    if pad > 0:
        ar = jnp.arange(pad, dtype=jnp.int32)
        gidx = jnp.concatenate([gidx, ar % (NUM_EMB * N_NODES)])
        dst = jnp.concatenate(
            [dst, N_NODES + ar % (ACC_ROWS - N_NODES)])
    else:
        gidx = gidx[:E_PAD]
        dst = dst[:E_PAD]
    gidx = gidx.reshape(NC, NS, G, CHUNK)
    didx = dst.reshape(NC, NS, G, CHUNK)

    y = _build_table(x, edge_emb).reshape(NUM_EMB * N_NODES, DIM)
    parts = _sc_aggregate(y, gidx, didx)

    return _mlp(eps.reshape(1, 1), x, parts[0], parts[1], W1,
                b1.reshape(1, DIM), gamma.reshape(1, DIM),
                beta.reshape(1, DIM), W2, b2.reshape(1, DIM))

# --- scband reference (transcript-rebuilt; emitter-appended) ---
"""Pipeline reference for scband-custom-gine-76209899700462 (READ-ONLY COPY).

The authoritative reference and input builder live on the scoring server;
editing this copy changes nothing except your own understanding.
"""

import jax, jax.numpy as jnp
import numpy as np

N_NODES = 10000
N_EDGES = 320000
IN_DIM = 128
EMB_DIM = 128
NUM_EDGE_EMB = 4
BN_EPS = 1e-5


def setup_inputs(seed: int = 0) -> dict:
    key = jax.random.key(seed)
    ks = [jax.random.fold_in(key, i) for i in range(12)]
    x = jax.random.normal(ks[0], (N_NODES, IN_DIM), dtype=jnp.float32)
    edge_index = jax.random.randint(ks[1], (2, N_EDGES), 0, N_NODES, dtype=jnp.int64)
    edge_attr = jax.random.randint(ks[2], (N_EDGES,), 0, NUM_EDGE_EMB, dtype=jnp.int64)
    # learned parameters
    edge_emb = jax.random.normal(ks[3], (NUM_EDGE_EMB, IN_DIM), dtype=jnp.float32)
    W1 = jax.random.normal(ks[4], (IN_DIM, EMB_DIM), dtype=jnp.float32) * (1.0 / np.sqrt(IN_DIM))
    b1 = jnp.zeros((EMB_DIM,), dtype=jnp.float32)
    gamma = jnp.ones((EMB_DIM,), dtype=jnp.float32)
    beta = jnp.zeros((EMB_DIM,), dtype=jnp.float32)
    W2 = jax.random.normal(ks[5], (EMB_DIM, EMB_DIM), dtype=jnp.float32) * (1.0 / np.sqrt(EMB_DIM))
    b2 = jnp.zeros((EMB_DIM,), dtype=jnp.float32)
    eps = jnp.zeros((), dtype=jnp.float32)  # GINE train_eps=True, init 0
    return {
        "x": x, "edge_index": edge_index, "edge_attr": edge_attr,
        "edge_emb": edge_emb, "W1": W1, "b1": b1,
        "gamma": gamma, "beta": beta, "W2": W2, "b2": b2, "eps": eps,
    }


def reference(x, edge_index, edge_attr, edge_emb, W1, b1, gamma, beta, W2, b2, eps):
    # edge embedding lookup (gather)
    e = jnp.take(edge_emb, edge_attr, axis=0)  # [E, IN_DIM]
    src = edge_index[0]
    dst = edge_index[1]
    # GINEConv message: relu(x_j + edge_attr_emb)
    msg = jax.nn.relu(jnp.take(x, src, axis=0) + e)
    # sum aggregation at destination nodes (scatter-add)
    aggr = jax.ops.segment_sum(msg, dst, num_segments=x.shape[0])
    # GIN update: nn((1 + eps) * x + aggr)
    h = (1.0 + eps) * x + aggr
    # MLP: Linear -> BatchNorm1d (training-mode batch stats) -> ReLU -> Linear
    h = h @ W1 + b1
    mean = jnp.mean(h, axis=0)
    var = jnp.var(h, axis=0)
    h = (h - mean) / jnp.sqrt(var + BN_EPS) * gamma + beta
    h = jax.nn.relu(h)
    out = h @ W2 + b2
    return out

if __name__ == "__main__":
    import jax
    _d = setup_inputs()
    print(jax.jit(kernel)(*tuple(_d.values())))

</pallas_src>

<mosaic_0001>
#map = affine_map<(d0, d1) -> (0, 0)>
#map1 = affine_map<(d0, d1) -> (0, 0, 0, 0)>
#map2 = affine_map<(d0, d1) -> (0, 0, 0)>
module attributes {stable_mosaic.version = 14 : i64} {
  func.func @body(%arg0: i32, %arg1: i32, %arg2: memref<40000x128xf32, #tpu.memory_space<hbm>>, %arg3: memref<2x16x80x128xi32, #tpu.memory_space<hbm>>, %arg4: memref<2x16x80x128xi32, #tpu.memory_space<hbm>>, %arg5: memref<2x10000x128xf32, #tpu.memory_space<hbm>>, %arg6: memref<40x128xi32, #tpu.memory_space<vmem>>, %arg7: memref<40x128xi32, #tpu.memory_space<vmem>>, %arg8: memref<128x128xf32, #tpu.memory_space<vmem>>, %arg9: memref<128x128xf32, #tpu.memory_space<vmem>>, %arg10: memref<10112x128xf32, #tpu.memory_space<vmem_shared>>, %arg11: memref<!tpu.dma_semaphore, #tpu.memory_space<semaphore_mem>>, %arg12: memref<!tpu.dma_semaphore, #tpu.memory_space<semaphore_mem>>, %arg13: memref<!tpu.dma_semaphore, #tpu.memory_space<semaphore_mem>>, %arg14: memref<!tpu.dma_semaphore, #tpu.memory_space<semaphore_mem>>) attributes {dimension_semantics = [#tpu.dimension_semantics<core_parallel>, #tpu.dimension_semantics<subcore_parallel>], iteration_bounds = array<i64: 2, 16>, scalar_prefetch = 0 : i64, scratch_operands = 9 : i64, tpu.core_type = #tpu.core_type<sc_vector_subcore>, window_params = [{transform_indices = #map}, {transform_indices = #map1}, {transform_indices = #map1}, {transform_indices = #map2}]} {
    %scan3A = arith.constant 0 : i32
    %scan3A_0 = arith.constant 0 : i32
    %scan3A_1 = arith.constant 128 : i32
    %scan3A_2 = arith.addi %scan3A_0, %scan3A_1 : i32
    %scan3A_3 = arith.constant 1 : i32
    scf.for %scan3A_61 = %scan3A_0 to %scan3A_2 step %scan3A_3  : i32 {
      %broadcast_in_dim3A = arith.constant 0.000000e+00 : f32
      %broadcast_in_dim3A_62 = vector.broadcast %broadcast_in_dim3A : f32 to vector<16xf32>
      %swap3A = arith.index_cast %scan3A_61 : i32 to index
      %swap3A_63 = arith.constant 0 : index
      %swap3A_64 = tpu.vector_load %arg8[%swap3A, %swap3A_63] {strides = array<i32>} : memref<128x128xf32, #tpu.memory_space<vmem>>, vector<1x16xf32>,
      %swap3A_65 = vector.shape_cast %swap3A_64 : vector<1x16xf32> to vector<16xf32>
      %swap3A_66 = vector.shape_cast %broadcast_in_dim3A_62 : vector<16xf32> to vector<1x16xf32>
      tpu.vector_store %arg8[%swap3A, %swap3A_63], %swap3A_66 {strides = array<i32>} : memref<128x128xf32, #tpu.memory_space<vmem>>, vector<1x16xf32>,
      %broadcast_in_dim3A_67 = arith.constant 0.000000e+00 : f32
      %broadcast_in_dim3A_68 = vector.broadcast %broadcast_in_dim3A_67 : f32 to vector<16xf32>
      %swap3A_69 = arith.index_cast %scan3A_61 : i32 to index
      %swap3A_70 = arith.constant 16 : index
      %swap3A_71 = tpu.vector_load %arg8[%swap3A_69, %swap3A_70] {strides = array<i32>} : memref<128x128xf32, #tpu.memory_space<vmem>>, vector<1x16xf32>,
      %swap3A_72 = vector.shape_cast %swap3A_71 : vector<1x16xf32> to vector<16xf32>
      %swap3A_73 = vector.shape_cast %broadcast_in_dim3A_68 : vector<16xf32> to vector<1x16xf32>
      tpu.vector_store %arg8[%swap3A_69, %swap3A_70], %swap3A_73 {strides = array<i32>} : memref<128x128xf32, #tpu.memory_space<vmem>>, vector<1x16xf32>,
      %broadcast_in_dim3A_74 = arith.constant 0.000000e+00 : f32
      %broadcast_in_dim3A_75 = vector.broadcast %broadcast_in_dim3A_74 : f32 to vector<16xf32>
      %swap3A_76 = arith.index_cast %scan3A_61 : i32 to index
      %swap3A_77 = arith.constant 32 : index
      %swap3A_78 = tpu.vector_load %arg8[%swap3A_76, %swap3A_77] {strides = array<i32>} : memref<128x128xf32, #tpu.memory_space<vmem>>, vector<1x16xf32>,
      %swap3A_79 = vector.shape_cast %swap3A_78 : vector<1x16xf32> to vector<16xf32>
      %swap3A_80 = vector.shape_cast %broadcast_in_dim3A_75 : vector<16xf32> to vector<1x16xf32>
      tpu.vector_store %arg8[%swap3A_76, %swap3A_77], %swap3A_80 {strides = array<i32>} : memref<128x128xf32, #tpu.memory_space<vmem>>, vector<1x16xf32>,
      %broadcast_in_dim3A_81 = arith.constant 0.000000e+00 : f32
      %broadcast_in_dim3A_82 = vector.broadcast %broadcast_in_dim3A_81 : f32 to vector<16xf32>
      %swap3A_83 = arith.index_cast %scan3A_61 : i32 to index
      %swap3A_84 = arith.constant 48 : index
      %swap3A_85 = tpu.vector_load %arg8[%swap3A_83, %swap3A_84] {strides = array<i32>} : memref<128x128xf32, #tpu.memory_space<vmem>>, vector<1x16xf32>,
      %swap3A_86 = vector.shape_cast %swap3A_85 : vector<1x16xf32> to vector<16xf32>
      %swap3A_87 = vector.shape_cast %broadcast_in_dim3A_82 : vector<16xf32> to vector<1x16xf32>
      tpu.vector_store %arg8[%swap3A_83, %swap3A_84], %swap3A_87 {strides = array<i32>} : memref<128x128xf32, #tpu.memory_space<vmem>>, vector<1x16xf32>,
      %broadcast_in_dim3A_88 = arith.constant 0.000000e+00 : f32
      %broadcast_in_dim3A_89 = vector.broadcast %broadcast_in_dim3A_88 : f32 to vector<16xf32>
      %swap3A_90 = arith.index_cast %scan3A_61 : i32 to index
      %swap3A_91 = arith.constant 64 : index
      %swap3A_92 = tpu.vector_load %arg8[%swap3A_90, %swap3A_91] {strides = array<i32>} : memref<128x128xf32, #tpu.memory_space<vmem>>, vector<1x16xf32>,
      %swap3A_93 = vector.shape_cast %swap3A_92 : vector<1x16xf32> to vector<16xf32>
      %swap3A_94 = vector.shape_cast %broadcast_in_dim3A_89 : vector<16xf32> to vector<1x16xf32>
      tpu.vector_store %arg8[%swap3A_90, %swap3A_91], %swap3A_94 {strides = array<i32>} : memref<128x128xf32, #tpu.memory_space<vmem>>, vector<1x16xf32>,
      %broadcast_in_dim3A_95 = arith.constant 0.000000e+00 : f32
      %broadcast_in_dim3A_96 = vector.broadcast %broadcast_in_dim3A_95 : f32 to vector<16xf32>
      %swap3A_97 = arith.index_cast %scan3A_61 : i32 to index
      %swap3A_98 = arith.constant 80 : index
      %swap3A_99 = tpu.vector_load %arg8[%swap3A_97, %swap3A_98] {strides = array<i32>} : memref<128x128xf32, #tpu.memory_space<vmem>>, vector<1x16xf32>,
      %swap3A_100 = vector.shape_cast %swap3A_99 : vector<1x16xf32> to vector<16xf32>
      %swap3A_101 = vector.shape_cast %broadcast_in_dim3A_96 : vector<16xf32> to vector<1x16xf32>
      tpu.vector_store %arg8[%swap3A_97, %swap3A_98], %swap3A_101 {strides = array<i32>} : memref<128x128xf32, #tpu.memory_space<vmem>>, vector<1x16xf32>,
      %broadcast_in_dim3A_102 = arith.constant 0.000000e+00 : f32
      %broadcast_in_dim3A_103 = vector.broadcast %broadcast_in_dim3A_102 : f32 to vector<16xf32>
      %swap3A_104 = arith.index_cast %scan3A_61 : i32 to index
      %swap3A_105 = arith.constant 96 : index
      %swap3A_106 = tpu.vector_load %arg8[%swap3A_104, %swap3A_105] {strides = array<i32>} : memref<128x128xf32, #tpu.memory_space<vmem>>, vector<1x16xf32>,
      %swap3A_107 = vector.shape_cast %swap3A_106 : vector<1x16xf32> to vector<16xf32>
      %swap3A_108 = vector.shape_cast %broadcast_in_dim3A_103 : vector<16xf32> to vector<1x16xf32>
      tpu.vector_store %arg8[%swap3A_104, %swap3A_105], %swap3A_108 {strides = array<i32>} : memref<128x128xf32, #tpu.memory_space<vmem>>, vector<1x16xf32>,
      %broadcast_in_dim3A_109 = arith.constant 0.000000e+00 : f32
      %broadcast_in_dim3A_110 = vector.broadcast %broadcast_in_dim3A_109 : f32 to vector<16xf32>
      %swap3A_111 = arith.index_cast %scan3A_61 : i32 to index
      %swap3A_112 = arith.constant 112 : index
      %swap3A_113 = tpu.vector_load %arg8[%swap3A_111, %swap3A_112] {strides = array<i32>} : memref<128x128xf32, #tpu.memory_space<vmem>>, vector<1x16xf32>,
      %swap3A_114 = vector.shape_cast %swap3A_113 : vector<1x16xf32> to vector<16xf32>
      %swap3A_115 = vector.shape_cast %broadcast_in_dim3A_110 : vector<16xf32> to vector<1x16xf32>
      tpu.vector_store %arg8[%swap3A_111, %swap3A_112], %swap3A_115 {strides = array<i32>} : memref<128x128xf32, #tpu.memory_space<vmem>>, vector<1x16xf32>,
    }
    %scan3A_4 = arith.constant 128 : i32
    %mul3A = arith.constant 632 : i32
    %mul3A_5 = arith.muli %arg1, %mul3A : i32
    %add3A = arith.constant 0 : i32
    %add3A_6 = arith.addi %mul3A_5, %add3A : i32
    "tpu.region"() ({
      %run_scoped3A = tpu.sem_alloc : memref<!tpu.dma_semaphore, #tpu.memory_space<semaphore_mem>>
      %dma_start3A_61 = arith.constant 0 : i32
      %dma_start3A_62 = tpu.memref_slice %arg10[%add3A_6, %dma_start3A_61] : memref<10112x128xf32, #tpu.memory_space<vmem_shared>> -> memref<128x128xf32, #tpu.memory_space<vmem_shared>>
      %dma_start3A_63 = arith.constant 0 : i32
      %dma_start3A_64 = tpu.memref_slice %arg10[%add3A_6, %dma_start3A_63] : memref<10112x128xf32, #tpu.memory_space<vmem_shared>> -> memref<128x128xf32, #tpu.memory_space<vmem_shared>>
      tpu.enqueue_dma source(%arg8 : memref<128x128xf32, #tpu.memory_space<vmem>>) target(%dma_start3A_64 : memref<128x128xf32, #tpu.memory_space<vmem_shared>>) target_semaphore(%run_scoped3A : memref<!tpu.dma_semaphore, #tpu.memory_space<semaphore_mem>>)
      %dma_wait3A = arith.constant 0 : i32
      %dma_wait3A_65 = tpu.memref_slice %arg10[%add3A_6, %dma_wait3A] : memref<10112x128xf32, #tpu.memory_space<vmem_shared>> -> memref<128x128xf32, #tpu.memory_space<vmem_shared>>
      %dma_wait3A_66 = arith.constant 0 : i32
      %dma_wait3A_67 = tpu.memref_slice %arg10[%add3A_6, %dma_wait3A_66] : memref<10112x128xf32, #tpu.memory_space<vmem_shared>> -> memref<128x128xf32, #tpu.memory_space<vmem_shared>>
      tpu.wait_dma2 semaphore(%run_scoped3A : memref<!tpu.dma_semaphore, #tpu.memory_space<semaphore_mem>>) src(%arg8 : memref<128x128xf32, #tpu.memory_space<vmem>>) dst(%dma_wait3A_67 : memref<128x128xf32, #tpu.memory_space<vmem_shared>>)
      tpu.yield
    }) : () -> ()
    %add3A_7 = arith.constant 128 : i32
    %add3A_8 = arith.addi %mul3A_5, %add3A_7 : i32
    "tpu.region"() ({
      %run_scoped3A = tpu.sem_alloc : memref<!tpu.dma_semaphore, #tpu.memory_space<semaphore_mem>>
      %dma_start3A_61 = arith.constant 0 : i32
      %dma_start3A_62 = tpu.memref_slice %arg10[%add3A_8, %dma_start3A_61] : memref<10112x128xf32, #tpu.memory_space<vmem_shared>> -> memref<128x128xf32, #tpu.memory_space<vmem_shared>>
      %dma_start3A_63 = arith.constant 0 : i32
      %dma_start3A_64 = tpu.memref_slice %arg10[%add3A_8, %dma_start3A_63] : memref<10112x128xf32, #tpu.memory_space<vmem_shared>> -> memref<128x128xf32, #tpu.memory_space<vmem_shared>>
      tpu.enqueue_dma source(%arg8 : memref<128x128xf32, #tpu.memory_space<vmem>>) target(%dma_start3A_64 : memref<128x128xf32, #tpu.memory_space<vmem_shared>>) target_semaphore(%run_scoped3A : memref<!tpu.dma_semaphore, #tpu.memory_space<semaphore_mem>>)
      %dma_wait3A = arith.constant 0 : i32
      %dma_wait3A_65 = tpu.memref_slice %arg10[%add3A_8, %dma_wait3A] : memref<10112x128xf32, #tpu.memory_space<vmem_shared>> -> memref<128x128xf32, #tpu.memory_space<vmem_shared>>
      %dma_wait3A_66 = arith.constant 0 : i32
      %dma_wait3A_67 = tpu.memref_slice %arg10[%add3A_8, %dma_wait3A_66] : memref<10112x128xf32, #tpu.memory_space<vmem_shared>> -> memref<128x128xf32, #tpu.memory_space<vmem_shared>>
      tpu.wait_dma2 semaphore(%run_scoped3A : memref<!tpu.dma_semaphore, #tpu.memory_space<semaphore_mem>>) src(%arg8 : memref<128x128xf32, #tpu.memory_space<vmem>>) dst(%dma_wait3A_67 : memref<128x128xf32, #tpu.memory_space<vmem_shared>>)
      tpu.yield
    }) : () -> ()
    %add3A_9 = arith.constant 256 : i32
    %add3A_10 = arith.addi %mul3A_5, %add3A_9 : i32
    "tpu.region"() ({
      %run_scoped3A = tpu.sem_alloc : memref<!tpu.dma_semaphore, #tpu.memory_space<semaphore_mem>>
      %dma_start3A_61 = arith.constant 0 : i32
      %dma_start3A_62 = tpu.memref_slice %arg10[%add3A_10, %dma_start3A_61] : memref<10112x128xf32, #tpu.memory_space<vmem_shared>> -> memref<128x128xf32, #tpu.memory_space<vmem_shared>>
      %dma_start3A_63 = arith.constant 0 : i32
      %dma_start3A_64 = tpu.memref_slice %arg10[%add3A_10, %dma_start3A_63] : memref<10112x128xf32, #tpu.memory_space<vmem_shared>> -> memref<128x128xf32, #tpu.memory_space<vmem_shared>>
      tpu.enqueue_dma source(%arg8 : memref<128x128xf32, #tpu.memory_space<vmem>>) target(%dma_start3A_64 : memref<128x128xf32, #tpu.memory_space<vmem_shared>>) target_semaphore(%run_scoped3A : memref<!tpu.dma_semaphore, #tpu.memory_space<semaphore_mem>>)
      %dma_wait3A = arith.constant 0 : i32
      %dma_wait3A_65 = tpu.memref_slice %arg10[%add3A_10, %dma_wait3A] : memref<10112x128xf32, #tpu.memory_space<vmem_shared>> -> memref<128x128xf32, #tpu.memory_space<vmem_shared>>
      %dma_wait3A_66 = arith.constant 0 : i32
      %dma_wait3A_67 = tpu.memref_slice %arg10[%add3A_10, %dma_wait3A_66] : memref<10112x128xf32, #tpu.memory_space<vmem_shared>> -> memref<128x128xf32, #tpu.memory_space<vmem_shared>>
      tpu.wait_dma2 semaphore(%run_scoped3A : memref<!tpu.dma_semaphore, #tpu.memory_space<semaphore_mem>>) src(%arg8 : memref<128x128xf32, #tpu.memory_space<vmem>>) dst(%dma_wait3A_67 : memref<128x128xf32, #tpu.memory_space<vmem_shared>>)
      tpu.yield
    }) : () -> ()
    %add3A_11 = arith.constant 384 : i32
    %add3A_12 = arith.addi %mul3A_5, %add3A_11 : i32
    "tpu.region"() ({
      %run_scoped3A = tpu.sem_alloc : memref<!tpu.dma_semaphore, #tpu.memory_space<semaphore_mem>>
      %dma_start3A_61 = arith.constant 0 : i32
      %dma_start3A_62 = tpu.memref_slice %arg10[%add3A_12, %dma_start3A_61] : memref<10112x128xf32, #tpu.memory_space<vmem_shared>> -> memref<128x128xf32, #tpu.memory_space<vmem_shared>>
      %dma_start3A_63 = arith.constant 0 : i32
      %dma_start3A_64 = tpu.memref_slice %arg10[%add3A_12, %dma_start3A_63] : memref<10112x128xf32, #tpu.memory_space<vmem_shared>> -> memref<128x128xf32, #tpu.memory_space<vmem_shared>>
      tpu.enqueue_dma source(%arg8 : memref<128x128xf32, #tpu.memory_space<vmem>>) target(%dma_start3A_64 : memref<128x128xf32, #tpu.memory_space<vmem_shared>>) target_semaphore(%run_scoped3A : memref<!tpu.dma_semaphore, #tpu.memory_space<semaphore_mem>>)
      %dma_wait3A = arith.constant 0 : i32
      %dma_wait3A_65 = tpu.memref_slice %arg10[%add3A_12, %dma_wait3A] : memref<10112x128xf32, #tpu.memory_space<vmem_shared>> -> memref<128x128xf32, #tpu.memory_space<vmem_shared>>
      %dma_wait3A_66 = arith.constant 0 : i32
      %dma_wait3A_67 = tpu.memref_slice %arg10[%add3A_12, %dma_wait3A_66] : memref<10112x128xf32, #tpu.memory_space<vmem_shared>> -> memref<128x128xf32, #tpu.memory_space<vmem_shared>>
      tpu.wait_dma2 semaphore(%run_scoped3A : memref<!tpu.dma_semaphore, #tpu.memory_space<semaphore_mem>>) src(%arg8 : memref<128x128xf32, #tpu.memory_space<vmem>>) dst(%dma_wait3A_67 : memref<128x128xf32, #tpu.memory_space<vmem_shared>>)
      tpu.yield
    }) : () -> ()
    %add3A_13 = arith.constant 512 : i32
    %add3A_14 = arith.addi %mul3A_5, %add3A_13 : i32
    "tpu.region"() ({
      %run_scoped3A = tpu.sem_alloc : memref<!tpu.dma_semaphore, #tpu.memory_space<semaphore_mem>>
      %dma_start3A_61 = arith.constant 0 : i32
      %dma_start3A_62 = arith.constant 0 : i32
      %dma_start3A_63 = tpu.memref_slice %arg8[%dma_start3A_61, %dma_start3A_62] : memref<128x128xf32, #tpu.memory_space<vmem>> -> memref<120x128xf32, #tpu.memory_space<vmem>>
      %dma_start3A_64 = arith.constant 0 : i32
      %dma_start3A_65 = tpu.memref_slice %arg10[%add3A_14, %dma_start3A_64] : memref<10112x128xf32, #tpu.memory_space<vmem_shared>> -> memref<120x128xf32, #tpu.memory_space<vmem_shared>>
      %dma_start3A_66 = arith.constant 0 : i32
      %dma_start3A_67 = tpu.memref_slice %arg10[%add3A_14, %dma_start3A_66] : memref<10112x128xf32, #tpu.memory_space<vmem_shared>> -> memref<120x128xf32, #tpu.memory_space<vmem_shared>>
      %dma_start3A_68 = arith.constant 0 : i32
      %dma_start3A_69 = arith.constant 0 : i32
      %dma_start3A_70 = tpu.memref_slice %arg8[%dma_start3A_68, %dma_start3A_69] : memref<128x128xf32, #tpu.memory_space<vmem>> -> memref<120x128xf32, #tpu.memory_space<vmem>>
      tpu.enqueue_dma source(%dma_start3A_70 : memref<120x128xf32, #tpu.memory_space<vmem>>) target(%dma_start3A_67 : memref<120x128xf32, #tpu.memory_space<vmem_shared>>) target_semaphore(%run_scoped3A : memref<!tpu.dma_semaphore, #tpu.memory_space<semaphore_mem>>)
      %dma_wait3A = arith.constant 0 : i32
      %dma_wait3A_71 = arith.constant 0 : i32
      %dma_wait3A_72 = tpu.memref_slice %arg8[%dma_wait3A, %dma_wait3A_71] : memref<128x128xf32, #tpu.memory_space<vmem>> -> memref<120x128xf32, #tpu.memory_space<vmem>>
      %dma_wait3A_73 = arith.constant 0 : i32
      %dma_wait3A_74 = tpu.memref_slice %arg10[%add3A_14, %dma_wait3A_73] : memref<10112x128xf32, #tpu.memory_space<vmem_shared>> -> memref<120x128xf32, #tpu.memory_space<vmem_shared>>
      %dma_wait3A_75 = arith.constant 0 : i32
      %dma_wait3A_76 = tpu.memref_slice %arg10[%add3A_14, %dma_wait3A_75] : memref<10112x128xf32, #tpu.memory_space<vmem_shared>> -> memref<120x128xf32, #tpu.memory_space<vmem_shared>>
      %dma_wait3A_77 = arith.constant 0 : i32
      %dma_wait3A_78 = arith.constant 0 : i32
      %dma_wait3A_79 = tpu.memref_slice %arg8[%dma_wait3A_77, %dma_wait3A_78] : memref<128x128xf32, #tpu.memory_space<vmem>> -> memref<120x128xf32, #tpu.memory_space<vmem>>
      tpu.wait_dma2 semaphore(%run_scoped3A : memref<!tpu.dma_semaphore, #tpu.memory_space<semaphore_mem>>) src(%dma_wait3A_79 : memref<120x128xf32, #tpu.memory_space<vmem>>) dst(%dma_wait3A_76 : memref<120x128xf32, #tpu.memory_space<vmem_shared>>)
      tpu.yield
    }) : () -> ()
    "tpu.region"() ({
      %run_scoped3A = tpu.sem_alloc : memref<!tpu.dma_semaphore, #tpu.memory_space<semaphore_mem>>
      %dma_start3A_61 = arith.constant 0 : i32
      %dma_start3A_62 = arith.constant 0 : i32
      %dma_start3A_63 = tpu.memref_slice %arg3[%arg0, %arg1, %dma_start3A_61, %dma_start3A_62] : memref<2x16x80x128xi32, #tpu.memory_space<hbm>> -> memref<1x1x40x128xi32, #tpu.memory_space<hbm>>
      %dma_start3A_64 = tpu.memref_squeeze %dma_start3A_63 : memref<1x1x40x128xi32, #tpu.memory_space<hbm>> -> memref<40x128xi32, #tpu.memory_space<hbm>>
      %dma_start3A_65 = arith.constant 0 : i32
      %dma_start3A_66 = arith.constant 0 : i32
      %dma_start3A_67 = tpu.memref_slice %arg3[%arg0, %arg1, %dma_start3A_65, %dma_start3A_66] : memref<2x16x80x128xi32, #tpu.memory_space<hbm>> -> memref<1x1x40x128xi32, #tpu.memory_space<hbm>>
      %dma_start3A_68 = tpu.memref_squeeze %dma_start3A_67 : memref<1x1x40x128xi32, #tpu.memory_space<hbm>> -> memref<40x128xi32, #tpu.memory_space<hbm>>
      tpu.enqueue_dma source(%dma_start3A_68 : memref<40x128xi32, #tpu.memory_space<hbm>>) target(%arg6 : memref<40x128xi32, #tpu.memory_space<vmem>>) target_semaphore(%run_scoped3A : memref<!tpu.dma_semaphore, #tpu.memory_space<semaphore_mem>>)
      %dma_wait3A = arith.constant 0 : i32
      %dma_wait3A_69 = arith.constant 0 : i32
      %dma_wait3A_70 = tpu.memref_slice %arg3[%arg0, %arg1, %dma_wait3A, %dma_wait3A_69] : memref<2x16x80x128xi32, #tpu.memory_space<hbm>> -> memref<1x1x40x128xi32, #tpu.memory_space<hbm>>
      %dma_wait3A_71 = tpu.memref_squeeze %dma_wait3A_70 : memref<1x1x40x128xi32, #tpu.memory_space<hbm>> -> memref<40x128xi32, #tpu.memory_space<hbm>>
      %dma_wait3A_72 = arith.constant 0 : i32
      %dma_wait3A_73 = arith.constant 0 : i32
      %dma_wait3A_74 = tpu.memref_slice %arg3[%arg0, %arg1, %dma_wait3A_72, %dma_wait3A_73] : memref<2x16x80x128xi32, #tpu.memory_space<hbm>> -> memref<1x1x40x128xi32, #tpu.memory_space<hbm>>
      %dma_wait3A_75 = tpu.memref_squeeze %dma_wait3A_74 : memref<1x1x40x128xi32, #tpu.memory_space<hbm>> -> memref<40x128xi32, #tpu.memory_space<hbm>>
      tpu.wait_dma2 semaphore(%run_scoped3A : memref<!tpu.dma_semaphore, #tpu.memory_space<semaphore_mem>>) src(%dma_wait3A_75 : memref<40x128xi32, #tpu.memory_space<hbm>>) dst(%arg6 : memref<40x128xi32, #tpu.memory_space<vmem>>)
      tpu.yield
    }) : () -> ()
    "tpu.region"() ({
      %run_scoped3A = tpu.sem_alloc : memref<!tpu.dma_semaphore, #tpu.memory_space<semaphore_mem>>
      %dma_start3A_61 = arith.constant 0 : i32
      %dma_start3A_62 = arith.constant 0 : i32
      %dma_start3A_63 = tpu.memref_slice %arg4[%arg0, %arg1, %dma_start3A_61, %dma_start3A_62] : memref<2x16x80x128xi32, #tpu.memory_space<hbm>> -> memref<1x1x40x128xi32, #tpu.memory_space<hbm>>
      %dma_start3A_64 = tpu.memref_squeeze %dma_start3A_63 : memref<1x1x40x128xi32, #tpu.memory_space<hbm>> -> memref<40x128xi32, #tpu.memory_space<hbm>>
      %dma_start3A_65 = arith.constant 0 : i32
      %dma_start3A_66 = arith.constant 0 : i32
      %dma_start3A_67 = tpu.memref_slice %arg4[%arg0, %arg1, %dma_start3A_65, %dma_start3A_66] : memref<2x16x80x128xi32, #tpu.memory_space<hbm>> -> memref<1x1x40x128xi32, #tpu.memory_space<hbm>>
      %dma_start3A_68 = tpu.memref_squeeze %dma_start3A_67 : memref<1x1x40x128xi32, #tpu.memory_space<hbm>> -> memref<40x128xi32, #tpu.memory_space<hbm>>
      tpu.enqueue_dma source(%dma_start3A_68 : memref<40x128xi32, #tpu.memory_space<hbm>>) target(%arg7 : memref<40x128xi32, #tpu.memory_space<vmem>>) target_semaphore(%run_scoped3A : memref<!tpu.dma_semaphore, #tpu.memory_space<semaphore_mem>>)
      %dma_wait3A = arith.constant 0 : i32
      %dma_wait3A_69 = arith.constant 0 : i32
      %dma_wait3A_70 = tpu.memref_slice %arg4[%arg0, %arg1, %dma_wait3A, %dma_wait3A_69] : memref<2x16x80x128xi32, #tpu.memory_space<hbm>> -> memref<1x1x40x128xi32, #tpu.memory_space<hbm>>
      %dma_wait3A_71 = tpu.memref_squeeze %dma_wait3A_70 : memref<1x1x40x128xi32, #tpu.memory_space<hbm>> -> memref<40x128xi32, #tpu.memory_space<hbm>>
      %dma_wait3A_72 = arith.constant 0 : i32
      %dma_wait3A_73 = arith.constant 0 : i32
      %dma_wait3A_74 = tpu.memref_slice %arg4[%arg0, %arg1, %dma_wait3A_72, %dma_wait3A_73] : memref<2x16x80x128xi32, #tpu.memory_space<hbm>> -> memref<1x1x40x128xi32, #tpu.memory_space<hbm>>
      %dma_wait3A_75 = tpu.memref_squeeze %dma_wait3A_74 : memref<1x1x40x128xi32, #tpu.memory_space<hbm>> -> memref<40x128xi32, #tpu.memory_space<hbm>>
      tpu.wait_dma2 semaphore(%run_scoped3A : memref<!tpu.dma_semaphore, #tpu.memory_space<semaphore_mem>>) src(%dma_wait3A_75 : memref<40x128xi32, #tpu.memory_space<hbm>>) dst(%arg7 : memref<40x128xi32, #tpu.memory_space<vmem>>)
      tpu.yield
    }) : () -> ()
    %dma_start3A = arith.constant 0 : i32
    %dma_start3A_15 = arith.constant 0 : i32
    %dma_start3A_16 = tpu.memref_slice %arg6[%dma_start3A, %dma_start3A_15] : memref<40x128xi32, #tpu.memory_space<vmem>> -> memref<1x128xi32, #tpu.memory_space<vmem>>
    %dma_start3A_17 = tpu.memref_squeeze %dma_start3A_16 : memref<1x128xi32, #tpu.memory_space<vmem>> -> memref<128xi32, #tpu.memory_space<vmem>>
    %dma_start3A_18 = arith.constant 0 : i32
    %dma_start3A_19 = arith.constant 0 : i32
    %dma_start3A_20 = tpu.memref_slice %arg2[%dma_start3A_18, %dma_start3A_19] : memref<40000x128xf32, #tpu.memory_space<hbm>> -> memref<40000x128xf32, #tpu.memory_space<hbm>>
    tpu.enqueue_indirect_dma source(%dma_start3A_20 : memref<40000x128xf32, #tpu.memory_space<hbm>>) target(%arg8 : memref<128x128xf32, #tpu.memory_space<vmem>>) offsets(%dma_start3A_17 : memref<128xi32, #tpu.memory_space<vmem>>) semaphore(%arg11 : memref<!tpu.dma_semaphore, #tpu.memory_space<semaphore_mem>>)
    %dma_start3A_21 = arith.constant 1 : i32
    %dma_start3A_22 = arith.constant 0 : i32
    %dma_start3A_23 = tpu.memref_slice %arg6[%dma_start3A_21, %dma_start3A_22] : memref<40x128xi32, #tpu.memory_space<vmem>> -> memref<1x128xi32, #tpu.memory_space<vmem>>
    %dma_start3A_24 = tpu.memref_squeeze %dma_start3A_23 : memref<1x128xi32, #tpu.memory_space<vmem>> -> memref<128xi32, #tpu.memory_space<vmem>>
    %dma_start3A_25 = arith.constant 0 : i32
    %dma_start3A_26 = arith.constant 0 : i32
    %dma_start3A_27 = tpu.memref_slice %arg2[%dma_start3A_25, %dma_start3A_26] : memref<40000x128xf32, #tpu.memory_space<hbm>> -> memref<40000x128xf32, #tpu.memory_space<hbm>>
    tpu.enqueue_indirect_dma source(%dma_start3A_27 : memref<40000x128xf32, #tpu.memory_space<hbm>>) target(%arg9 : memref<128x128xf32, #tpu.memory_space<vmem>>) offsets(%dma_start3A_24 : memref<128xi32, #tpu.memory_space<vmem>>) semaphore(%arg12 : memref<!tpu.dma_semaphore, #tpu.memory_space<semaphore_mem>>)
    %barrier3A = arith.constant 0 : index
    tpu.barrier barrier_id(%barrier3A)
    %scan3A_28 = arith.constant 0 : i32
    %scan3A_29 = arith.constant 0 : i32
    %scan3A_30 = arith.constant 20 : i32
    %scan3A_31 = arith.addi %scan3A_29, %scan3A_30 : i32
    %scan3A_32 = arith.constant 1 : i32
    scf.for %scan3A_61 = %scan3A_29 to %scan3A_31 step %scan3A_32  : i32 {
      %mul3A_62 = arith.constant 2 : i32
      %mul3A_63 = arith.muli %mul3A_62, %scan3A_61 : i32
      %dma_wait3A = arith.constant 0 : i32
      %dma_wait3A_64 = tpu.memref_slice %arg6[%mul3A_63, %dma_wait3A] : memref<40x128xi32, #tpu.memory_space<vmem>> -> memref<1x128xi32, #tpu.memory_space<vmem>>
      %dma_wait3A_65 = tpu.memref_squeeze %dma_wait3A_64 : memref<1x128xi32, #tpu.memory_space<vmem>> -> memref<128xi32, #tpu.memory_space<vmem>>
      %dma_wait3A_66 = arith.constant 0 : i32
      %dma_wait3A_67 = arith.constant 0 : i32
      %dma_wait3A_68 = tpu.memref_slice %arg2[%dma_wait3A_66, %dma_wait3A_67] : memref<40000x128xf32, #tpu.memory_space<hbm>> -> memref<40000x128xf32, #tpu.memory_space<hbm>>
      tpu.wait_indirect_dma semaphore(%arg11 : memref<!tpu.dma_semaphore, #tpu.memory_space<semaphore_mem>>) src(%dma_wait3A_68 : memref<40000x128xf32, #tpu.memory_space<hbm>>) dst(%arg8 : memref<128x128xf32, #tpu.memory_space<vmem>>)
      %dma_start3A_69 = arith.constant 0 : i32
      %dma_start3A_70 = tpu.memref_slice %arg7[%mul3A_63, %dma_start3A_69] : memref<40x128xi32, #tpu.memory_space<vmem>> -> memref<1x128xi32, #tpu.memory_space<vmem>>
      %dma_start3A_71 = tpu.memref_squeeze %dma_start3A_70 : memref<1x128xi32, #tpu.memory_space<vmem>> -> memref<128xi32, #tpu.memory_space<vmem>>
      %dma_start3A_72 = arith.constant 0 : i32
      %dma_start3A_73 = arith.constant 0 : i32
      %dma_start3A_74 = tpu.memref_slice %arg10[%dma_start3A_72, %dma_start3A_73] : memref<10112x128xf32, #tpu.memory_space<vmem_shared>> -> memref<10112x128xf32, #tpu.memory_space<vmem_shared>>
      tpu.enqueue_indirect_dma source(%arg8 : memref<128x128xf32, #tpu.memory_space<vmem>>) target(%dma_start3A_74 : memref<10112x128xf32, #tpu.memory_space<vmem_shared>>) offsets(%dma_start3A_71 : memref<128xi32, #tpu.memory_space<vmem>>) semaphore(%arg13 : memref<!tpu.dma_semaphore, #tpu.memory_space<semaphore_mem>>) {add = true}
      %add3A_75 = arith.constant 1 : i32
      %add3A_76 = arith.addi %mul3A_63, %add3A_75 : i32
      %dma_wait3A_77 = arith.constant 0 : i32
      %dma_wait3A_78 = tpu.memref_slice %arg6[%add3A_76, %dma_wait3A_77] : memref<40x128xi32, #tpu.memory_space<vmem>> -> memref<1x128xi32, #tpu.memory_space<vmem>>
      %dma_wait3A_79 = tpu.memref_squeeze %dma_wait3A_78 : memref<1x128xi32, #tpu.memory_space<vmem>> -> memref<128xi32, #tpu.memory_space<vmem>>
      %dma_wait3A_80 = arith.constant 0 : i32
      %dma_wait3A_81 = arith.constant 0 : i32
      %dma_wait3A_82 = tpu.memref_slice %arg2[%dma_wait3A_80, %dma_wait3A_81] : memref<40000x128xf32, #tpu.memory_space<hbm>> -> memref<40000x128xf32, #tpu.memory_space<hbm>>
      tpu.wait_indirect_dma semaphore(%arg12 : memref<!tpu.dma_semaphore, #tpu.memory_space<semaphore_mem>>) src(%dma_wait3A_82 : memref<40000x128xf32, #tpu.memory_space<hbm>>) dst(%arg9 : memref<128x128xf32, #tpu.memory_space<vmem>>)
      %add3A_83 = arith.constant 1 : i32
      %add3A_84 = arith.addi %mul3A_63, %add3A_83 : i32
      %dma_start3A_85 = arith.constant 0 : i32
      %dma_start3A_86 = tpu.memref_slice %arg7[%add3A_84, %dma_start3A_85] : memref<40x128xi32, #tpu.memory_space<vmem>> -> memref<1x128xi32, #tpu.memory_space<vmem>>
      %dma_start3A_87 = tpu.memref_squeeze %dma_start3A_86 : memref<1x128xi32, #tpu.memory_space<vmem>> -> memref<128xi32, #tpu.memory_space<vmem>>
      %dma_start3A_88 = arith.constant 0 : i32
      %dma_start3A_89 = arith.constant 0 : i32
      %dma_start3A_90 = tpu.memref_slice %arg10[%dma_start3A_88, %dma_start3A_89] : memref<10112x128xf32, #tpu.memory_space<vmem_shared>> -> memref<10112x128xf32, #tpu.memory_space<vmem_shared>>
      tpu.enqueue_indirect_dma source(%arg9 : memref<128x128xf32, #tpu.memory_space<vmem>>) target(%dma_start3A_90 : memref<10112x128xf32, #tpu.memory_space<vmem_shared>>) offsets(%dma_start3A_87 : memref<128xi32, #tpu.memory_space<vmem>>) semaphore(%arg14 : memref<!tpu.dma_semaphore, #tpu.memory_space<semaphore_mem>>) {add = true}
      %dma_wait3A_91 = arith.constant 0 : i32
      %dma_wait3A_92 = tpu.memref_slice %arg7[%mul3A_63, %dma_wait3A_91] : memref<40x128xi32, #tpu.memory_space<vmem>> -> memref<1x128xi32, #tpu.memory_space<vmem>>
      %dma_wait3A_93 = tpu.memref_squeeze %dma_wait3A_92 : memref<1x128xi32, #tpu.memory_space<vmem>> -> memref<128xi32, #tpu.memory_space<vmem>>
      %dma_wait3A_94 = arith.constant 0 : i32
      %dma_wait3A_95 = arith.constant 0 : i32
      %dma_wait3A_96 = tpu.memref_slice %arg10[%dma_wait3A_94, %dma_wait3A_95] : memref<10112x128xf32, #tpu.memory_space<vmem_shared>> -> memref<10112x128xf32, #tpu.memory_space<vmem_shared>>
      tpu.wait_indirect_dma semaphore(%arg13 : memref<!tpu.dma_semaphore, #tpu.memory_space<semaphore_mem>>) src(%arg8 : memref<128x128xf32, #tpu.memory_space<vmem>>) dst(%dma_wait3A_96 : memref<10112x128xf32, #tpu.memory_space<vmem_shared>>)
      %lt3A_97 = arith.constant 19 : i32
      %lt3A_98 = arith.cmpi slt, %scan3A_61, %lt3A_97 : i32
      %convert_element_type3A_99 = arith.extui %lt3A_98 : i1 to i32
      %cond3A_100 = arith.constant 0 : i32
      %cond3A_101 = arith.cmpi ne, %convert_element_type3A_99, %cond3A_100 : i32
      scf.if %cond3A_101 {
        %add3A_113 = arith.constant 2 : i32
        %add3A_114 = arith.addi %mul3A_63, %add3A_113 : i32
        %dma_start3A_115 = arith.constant 0 : i32
        %dma_start3A_116 = tpu.memref_slice %arg6[%add3A_114, %dma_start3A_115] : memref<40x128xi32, #tpu.memory_space<vmem>> -> memref<1x128xi32, #tpu.memory_space<vmem>>
        %dma_start3A_117 = tpu.memref_squeeze %dma_start3A_116 : memref<1x128xi32, #tpu.memory_space<vmem>> -> memref<128xi32, #tpu.memory_space<vmem>>
        %dma_start3A_118 = arith.constant 0 : i32
        %dma_start3A_119 = arith.constant 0 : i32
        %dma_start3A_120 = tpu.memref_slice %arg2[%dma_start3A_118, %dma_start3A_119] : memref<40000x128xf32, #tpu.memory_space<hbm>> -> memref<40000x128xf32, #tpu.memory_space<hbm>>
        tpu.enqueue_indirect_dma source(%dma_start3A_120 : memref<40000x128xf32, #tpu.memory_space<hbm>>) target(%arg8 : memref<128x128xf32, #tpu.memory_space<vmem>>) offsets(%dma_start3A_117 : memref<128xi32, #tpu.memory_space<vmem>>) semaphore(%arg11 : memref<!tpu.dma_semaphore, #tpu.memory_space<semaphore_mem>>)
      } else {
      }
      %dma_wait3A_102 = arith.constant 0 : i32
      %dma_wait3A_103 = tpu.memref_slice %arg7[%add3A_84, %dma_wait3A_102] : memref<40x128xi32, #tpu.memory_space<vmem>> -> memref<1x128xi32, #tpu.memory_space<vmem>>
      %dma_wait3A_104 = tpu.memref_squeeze %dma_wait3A_103 : memref<1x128xi32, #tpu.memory_space<vmem>> -> memref<128xi32, #tpu.memory_space<vmem>>
      %dma_wait3A_105 = arith.constant 0 : i32
      %dma_wait3A_106 = arith.constant 0 : i32
      %dma_wait3A_107 = tpu.memref_slice %arg10[%dma_wait3A_105, %dma_wait3A_106] : memref<10112x128xf32, #tpu.memory_space<vmem_shared>> -> memref<10112x128xf32, #tpu.memory_space<vmem_shared>>
      tpu.wait_indirect_dma semaphore(%arg14 : memref<!tpu.dma_semaphore, #tpu.memory_space<semaphore_mem>>) src(%arg9 : memref<128x128xf32, #tpu.memory_space<vmem>>) dst(%dma_wait3A_107 : memref<10112x128xf32, #tpu.memory_space<vmem_shared>>)
      %lt3A_108 = arith.constant 19 : i32
      %lt3A_109 = arith.cmpi slt, %scan3A_61, %lt3A_108 : i32
      %convert_element_type3A_110 = arith.extui %lt3A_109 : i1 to i32
      %cond3A_111 = arith.constant 0 : i32
      %cond3A_112 = arith.cmpi ne, %convert_element_type3A_110, %cond3A_111 : i32
      scf.if %cond3A_112 {
        %add3A_113 = arith.constant 3 : i32
        %add3A_114 = arith.addi %mul3A_63, %add3A_113 : i32
        %dma_start3A_115 = arith.constant 0 : i32
        %dma_start3A_116 = tpu.memref_slice %arg6[%add3A_114, %dma_start3A_115] : memref<40x128xi32, #tpu.memory_space<vmem>> -> memref<1x128xi32, #tpu.memory_space<vmem>>
        %dma_start3A_117 = tpu.memref_squeeze %dma_start3A_116 : memref<1x128xi32, #tpu.memory_space<vmem>> -> memref<128xi32, #tpu.memory_space<vmem>>
        %dma_start3A_118 = arith.constant 0 : i32
        %dma_start3A_119 = arith.constant 0 : i32
        %dma_start3A_120 = tpu.memref_slice %arg2[%dma_start3A_118, %dma_start3A_119] : memref<40000x128xf32, #tpu.memory_space<hbm>> -> memref<40000x128xf32, #tpu.memory_space<hbm>>
        tpu.enqueue_indirect_dma source(%dma_start3A_120 : memref<40000x128xf32, #tpu.memory_space<hbm>>) target(%arg9 : memref<128x128xf32, #tpu.memory_space<vmem>>) offsets(%dma_start3A_117 : memref<128xi32, #tpu.memory_space<vmem>>) semaphore(%arg12 : memref<!tpu.dma_semaphore, #tpu.memory_space<semaphore_mem>>)
      } else {
      }
    }
    %scan3A_33 = arith.constant 20 : i32
    "tpu.region"() ({
      %run_scoped3A = tpu.sem_alloc : memref<!tpu.dma_semaphore, #tpu.memory_space<semaphore_mem>>
      %dma_start3A_61 = arith.constant 40 : i32
      %dma_start3A_62 = arith.constant 0 : i32
      %dma_start3A_63 = tpu.memref_slice %arg3[%arg0, %arg1, %dma_start3A_61, %dma_start3A_62] : memref<2x16x80x128xi32, #tpu.memory_space<hbm>> -> memref<1x1x40x128xi32, #tpu.memory_space<hbm>>
      %dma_start3A_64 = tpu.memref_squeeze %dma_start3A_63 : memref<1x1x40x128xi32, #tpu.memory_space<hbm>> -> memref<40x128xi32, #tpu.memory_space<hbm>>
      %dma_start3A_65 = arith.constant 40 : i32
      %dma_start3A_66 = arith.constant 0 : i32
      %dma_start3A_67 = tpu.memref_slice %arg3[%arg0, %arg1, %dma_start3A_65, %dma_start3A_66] : memref<2x16x80x128xi32, #tpu.memory_space<hbm>> -> memref<1x1x40x128xi32, #tpu.memory_space<hbm>>
      %dma_start3A_68 = tpu.memref_squeeze %dma_start3A_67 : memref<1x1x40x128xi32, #tpu.memory_space<hbm>> -> memref<40x128xi32, #tpu.memory_space<hbm>>
      tpu.enqueue_dma source(%dma_start3A_68 : memref<40x128xi32, #tpu.memory_space<hbm>>) target(%arg6 : memref<40x128xi32, #tpu.memory_space<vmem>>) target_semaphore(%run_scoped3A : memref<!tpu.dma_semaphore, #tpu.memory_space<semaphore_mem>>)
      %dma_wait3A = arith.constant 40 : i32
      %dma_wait3A_69 = arith.constant 0 : i32
      %dma_wait3A_70 = tpu.memref_slice %arg3[%arg0, %arg1, %dma_wait3A, %dma_wait3A_69] : memref<2x16x80x128xi32, #tpu.memory_space<hbm>> -> memref<1x1x40x128xi32, #tpu.memory_space<hbm>>
      %dma_wait3A_71 = tpu.memref_squeeze %dma_wait3A_70 : memref<1x1x40x128xi32, #tpu.memory_space<hbm>> -> memref<40x128xi32, #tpu.memory_space<hbm>>
      %dma_wait3A_72 = arith.constant 40 : i32
      %dma_wait3A_73 = arith.constant 0 : i32
      %dma_wait3A_74 = tpu.memref_slice %arg3[%arg0, %arg1, %dma_wait3A_72, %dma_wait3A_73] : memref<2x16x80x128xi32, #tpu.memory_space<hbm>> -> memref<1x1x40x128xi32, #tpu.memory_space<hbm>>
      %dma_wait3A_75 = tpu.memref_squeeze %dma_wait3A_74 : memref<1x1x40x128xi32, #tpu.memory_space<hbm>> -> memref<40x128xi32, #tpu.memory_space<hbm>>
      tpu.wait_dma2 semaphore(%run_scoped3A : memref<!tpu.dma_semaphore, #tpu.memory_space<semaphore_mem>>) src(%dma_wait3A_75 : memref<40x128xi32, #tpu.memory_space<hbm>>) dst(%arg6 : memref<40x128xi32, #tpu.memory_space<vmem>>)
      tpu.yield
    }) : () -> ()
    "tpu.region"() ({
      %run_scoped3A = tpu.sem_alloc : memref<!tpu.dma_semaphore, #tpu.memory_space<semaphore_mem>>
      %dma_start3A_61 = arith.constant 40 : i32
      %dma_start3A_62 = arith.constant 0 : i32
      %dma_start3A_63 = tpu.memref_slice %arg4[%arg0, %arg1, %dma_start3A_61, %dma_start3A_62] : memref<2x16x80x128xi32, #tpu.memory_space<hbm>> -> memref<1x1x40x128xi32, #tpu.memory_space<hbm>>
      %dma_start3A_64 = tpu.memref_squeeze %dma_start3A_63 : memref<1x1x40x128xi32, #tpu.memory_space<hbm>> -> memref<40x128xi32, #tpu.memory_space<hbm>>
      %dma_start3A_65 = arith.constant 40 : i32
      %dma_start3A_66 = arith.constant 0 : i32
      %dma_start3A_67 = tpu.memref_slice %arg4[%arg0, %arg1, %dma_start3A_65, %dma_start3A_66] : memref<2x16x80x128xi32, #tpu.memory_space<hbm>> -> memref<1x1x40x128xi32, #tpu.memory_space<hbm>>
      %dma_start3A_68 = tpu.memref_squeeze %dma_start3A_67 : memref<1x1x40x128xi32, #tpu.memory_space<hbm>> -> memref<40x128xi32, #tpu.memory_space<hbm>>
      tpu.enqueue_dma source(%dma_start3A_68 : memref<40x128xi32, #tpu.memory_space<hbm>>) target(%arg7 : memref<40x128xi32, #tpu.memory_space<vmem>>) target_semaphore(%run_scoped3A : memref<!tpu.dma_semaphore, #tpu.memory_space<semaphore_mem>>)
      %dma_wait3A = arith.constant 40 : i32
      %dma_wait3A_69 = arith.constant 0 : i32
      %dma_wait3A_70 = tpu.memref_slice %arg4[%arg0, %arg1, %dma_wait3A, %dma_wait3A_69] : memref<2x16x80x128xi32, #tpu.memory_space<hbm>> -> memref<1x1x40x128xi32, #tpu.memory_space<hbm>>
      %dma_wait3A_71 = tpu.memref_squeeze %dma_wait3A_70 : memref<1x1x40x128xi32, #tpu.memory_space<hbm>> -> memref<40x128xi32, #tpu.memory_space<hbm>>
      %dma_wait3A_72 = arith.constant 40 : i32
      %dma_wait3A_73 = arith.constant 0 : i32
      %dma_wait3A_74 = tpu.memref_slice %arg4[%arg0, %arg1, %dma_wait3A_72, %dma_wait3A_73] : memref<2x16x80x128xi32, #tpu.memory_space<hbm>> -> memref<1x1x40x128xi32, #tpu.memory_space<hbm>>
      %dma_wait3A_75 = tpu.memref_squeeze %dma_wait3A_74 : memref<1x1x40x128xi32, #tpu.memory_space<hbm>> -> memref<40x128xi32, #tpu.memory_space<hbm>>
      tpu.wait_dma2 semaphore(%run_scoped3A : memref<!tpu.dma_semaphore, #tpu.memory_space<semaphore_mem>>) src(%dma_wait3A_75 : memref<40x128xi32, #tpu.memory_space<hbm>>) dst(%arg7 : memref<40x128xi32, #tpu.memory_space<vmem>>)
      tpu.yield
    }) : () -> ()
    %dma_start3A_34 = arith.constant 0 : i32
    %dma_start3A_35 = arith.constant 0 : i32
    %dma_start3A_36 = tpu.memref_slice %arg6[%dma_start3A_34, %dma_start3A_35] : memref<40x128xi32, #tpu.memory_space<vmem>> -> memref<1x128xi32, #tpu.memory_space<vmem>>
    %dma_start3A_37 = tpu.memref_squeeze %dma_start3A_36 : memref<1x128xi32, #tpu.memory_space<vmem>> -> memref<128xi32, #tpu.memory_space<vmem>>
    %dma_start3A_38 = arith.constant 0 : i32
    %dma_start3A_39 = arith.constant 0 : i32
    %dma_start3A_40 = tpu.memref_slice %arg2[%dma_start3A_38, %dma_start3A_39] : memref<40000x128xf32, #tpu.memory_space<hbm>> -> memref<40000x128xf32, #tpu.memory_space<hbm>>
    tpu.enqueue_indirect_dma source(%dma_start3A_40 : memref<40000x128xf32, #tpu.memory_space<hbm>>) target(%arg8 : memref<128x128xf32, #tpu.memory_space<vmem>>) offsets(%dma_start3A_37 : memref<128xi32, #tpu.memory_space<vmem>>) semaphore(%arg11 : memref<!tpu.dma_semaphore, #tpu.memory_space<semaphore_mem>>)
    %dma_start3A_41 = arith.constant 1 : i32
    %dma_start3A_42 = arith.constant 0 : i32
    %dma_start3A_43 = tpu.memref_slice %arg6[%dma_start3A_41, %dma_start3A_42] : memref<40x128xi32, #tpu.memory_space<vmem>> -> memref<1x128xi32, #tpu.memory_space<vmem>>
    %dma_start3A_44 = tpu.memref_squeeze %dma_start3A_43 : memref<1x128xi32, #tpu.memory_space<vmem>> -> memref<128xi32, #tpu.memory_space<vmem>>
    %dma_start3A_45 = arith.constant 0 : i32
    %dma_start3A_46 = arith.constant 0 : i32
    %dma_start3A_47 = tpu.memref_slice %arg2[%dma_start3A_45, %dma_start3A_46] : memref<40000x128xf32, #tpu.memory_space<hbm>> -> memref<40000x128xf32, #tpu.memory_space<hbm>>
    tpu.enqueue_indirect_dma source(%dma_start3A_47 : memref<40000x128xf32, #tpu.memory_space<hbm>>) target(%arg9 : memref<128x128xf32, #tpu.memory_space<vmem>>) offsets(%dma_start3A_44 : memref<128xi32, #tpu.memory_space<vmem>>) semaphore(%arg12 : memref<!tpu.dma_semaphore, #tpu.memory_space<semaphore_mem>>)
    %scan3A_48 = arith.constant 0 : i32
    %scan3A_49 = arith.constant 0 : i32
    %scan3A_50 = arith.constant 20 : i32
    %scan3A_51 = arith.addi %scan3A_49, %scan3A_50 : i32
    %scan3A_52 = arith.constant 1 : i32
    scf.for %scan3A_61 = %scan3A_49 to %scan3A_51 step %scan3A_52  : i32 {
      %mul3A_62 = arith.constant 2 : i32
      %mul3A_63 = arith.muli %mul3A_62, %scan3A_61 : i32
      %dma_wait3A = arith.constant 0 : i32
      %dma_wait3A_64 = tpu.memref_slice %arg6[%mul3A_63, %dma_wait3A] : memref<40x128xi32, #tpu.memory_space<vmem>> -> memref<1x128xi32, #tpu.memory_space<vmem>>
      %dma_wait3A_65 = tpu.memref_squeeze %dma_wait3A_64 : memref<1x128xi32, #tpu.memory_space<vmem>> -> memref<128xi32, #tpu.memory_space<vmem>>
      %dma_wait3A_66 = arith.constant 0 : i32
      %dma_wait3A_67 = arith.constant 0 : i32
      %dma_wait3A_68 = tpu.memref_slice %arg2[%dma_wait3A_66, %dma_wait3A_67] : memref<40000x128xf32, #tpu.memory_space<hbm>> -> memref<40000x128xf32, #tpu.memory_space<hbm>>
      tpu.wait_indirect_dma semaphore(%arg11 : memref<!tpu.dma_semaphore, #tpu.memory_space<semaphore_mem>>) src(%dma_wait3A_68 : memref<40000x128xf32, #tpu.memory_space<hbm>>) dst(%arg8 : memref<128x128xf32, #tpu.memory_space<vmem>>)
      %dma_start3A_69 = arith.constant 0 : i32
      %dma_start3A_70 = tpu.memref_slice %arg7[%mul3A_63, %dma_start3A_69] : memref<40x128xi32, #tpu.memory_space<vmem>> -> memref<1x128xi32, #tpu.memory_space<vmem>>
      %dma_start3A_71 = tpu.memref_squeeze %dma_start3A_70 : memref<1x128xi32, #tpu.memory_space<vmem>> -> memref<128xi32, #tpu.memory_space<vmem>>
      %dma_start3A_72 = arith.constant 0 : i32
      %dma_start3A_73 = arith.constant 0 : i32
      %dma_start3A_74 = tpu.memref_slice %arg10[%dma_start3A_72, %dma_start3A_73] : memref<10112x128xf32, #tpu.memory_space<vmem_shared>> -> memref<10112x128xf32, #tpu.memory_space<vmem_shared>>
      tpu.enqueue_indirect_dma source(%arg8 : memref<128x128xf32, #tpu.memory_space<vmem>>) target(%dma_start3A_74 : memref<10112x128xf32, #tpu.memory_space<vmem_shared>>) offsets(%dma_start3A_71 : memref<128xi32, #tpu.memory_space<vmem>>) semaphore(%arg13 : memref<!tpu.dma_semaphore, #tpu.memory_space<semaphore_mem>>) {add = true}
      %add3A_75 = arith.constant 1 : i32
      %add3A_76 = arith.addi %mul3A_63, %add3A_75 : i32
      %dma_wait3A_77 = arith.constant 0 : i32
      %dma_wait3A_78 = tpu.memref_slice %arg6[%add3A_76, %dma_wait3A_77] : memref<40x128xi32, #tpu.memory_space<vmem>> -> memref<1x128xi32, #tpu.memory_space<vmem>>
      %dma_wait3A_79 = tpu.memref_squeeze %dma_wait3A_78 : memref<1x128xi32, #tpu.memory_space<vmem>> -> memref<128xi32, #tpu.memory_space<vmem>>
      %dma_wait3A_80 = arith.constant 0 : i32
      %dma_wait3A_81 = arith.constant 0 : i32
      %dma_wait3A_82 = tpu.memref_slice %arg2[%dma_wait3A_80, %dma_wait3A_81] : memref<40000x128xf32, #tpu.memory_space<hbm>> -> memref<40000x128xf32, #tpu.memory_space<hbm>>
      tpu.wait_indirect_dma semaphore(%arg12 : memref<!tpu.dma_semaphore, #tpu.memory_space<semaphore_mem>>) src(%dma_wait3A_82 : memref<40000x128xf32, #tpu.memory_space<hbm>>) dst(%arg9 : memref<128x128xf32, #tpu.memory_space<vmem>>)
      %add3A_83 = arith.constant 1 : i32
      %add3A_84 = arith.addi %mul3A_63, %add3A_83 : i32
      %dma_start3A_85 = arith.constant 0 : i32
      %dma_start3A_86 = tpu.memref_slice %arg7[%add3A_84, %dma_start3A_85] : memref<40x128xi32, #tpu.memory_space<vmem>> -> memref<1x128xi32, #tpu.memory_space<vmem>>
      %dma_start3A_87 = tpu.memref_squeeze %dma_start3A_86 : memref<1x128xi32, #tpu.memory_space<vmem>> -> memref<128xi32, #tpu.memory_space<vmem>>
      %dma_start3A_88 = arith.constant 0 : i32
      %dma_start3A_89 = arith.constant 0 : i32
      %dma_start3A_90 = tpu.memref_slice %arg10[%dma_start3A_88, %dma_start3A_89] : memref<10112x128xf32, #tpu.memory_space<vmem_shared>> -> memref<10112x128xf32, #tpu.memory_space<vmem_shared>>
      tpu.enqueue_indirect_dma source(%arg9 : memref<128x128xf32, #tpu.memory_space<vmem>>) target(%dma_start3A_90 : memref<10112x128xf32, #tpu.memory_space<vmem_shared>>) offsets(%dma_start3A_87 : memref<128xi32, #tpu.memory_space<vmem>>) semaphore(%arg14 : memref<!tpu.dma_semaphore, #tpu.memory_space<semaphore_mem>>) {add = true}
      %dma_wait3A_91 = arith.constant 0 : i32
      %dma_wait3A_92 = tpu.memref_slice %arg7[%mul3A_63, %dma_wait3A_91] : memref<40x128xi32, #tpu.memory_space<vmem>> -> memref<1x128xi32, #tpu.memory_space<vmem>>
      %dma_wait3A_93 = tpu.memref_squeeze %dma_wait3A_92 : memref<1x128xi32, #tpu.memory_space<vmem>> -> memref<128xi32, #tpu.memory_space<vmem>>
      %dma_wait3A_94 = arith.constant 0 : i32
      %dma_wait3A_95 = arith.constant 0 : i32
      %dma_wait3A_96 = tpu.memref_slice %arg10[%dma_wait3A_94, %dma_wait3A_95] : memref<10112x128xf32, #tpu.memory_space<vmem_shared>> -> memref<10112x128xf32, #tpu.memory_space<vmem_shared>>
      tpu.wait_indirect_dma semaphore(%arg13 : memref<!tpu.dma_semaphore, #tpu.memory_space<semaphore_mem>>) src(%arg8 : memref<128x128xf32, #tpu.memory_space<vmem>>) dst(%dma_wait3A_96 : memref<10112x128xf32, #tpu.memory_space<vmem_shared>>)
      %lt3A_97 = arith.constant 19 : i32
      %lt3A_98 = arith.cmpi slt, %scan3A_61, %lt3A_97 : i32
      %convert_element_type3A_99 = arith.extui %lt3A_98 : i1 to i32
      %cond3A_100 = arith.constant 0 : i32
      %cond3A_101 = arith.cmpi ne, %convert_element_type3A_99, %cond3A_100 : i32
      scf.if %cond3A_101 {
        %add3A_113 = arith.constant 2 : i32
        %add3A_114 = arith.addi %mul3A_63, %add3A_113 : i32
        %dma_start3A_115 = arith.constant 0 : i32
        %dma_start3A_116 = tpu.memref_slice %arg6[%add3A_114, %dma_start3A_115] : memref<40x128xi32, #tpu.memory_space<vmem>> -> memref<1x128xi32, #tpu.memory_space<vmem>>
        %dma_start3A_117 = tpu.memref_squeeze %dma_start3A_116 : memref<1x128xi32, #tpu.memory_space<vmem>> -> memref<128xi32, #tpu.memory_space<vmem>>
        %dma_start3A_118 = arith.constant 0 : i32
        %dma_start3A_119 = arith.constant 0 : i32
        %dma_start3A_120 = tpu.memref_slice %arg2[%dma_start3A_118, %dma_start3A_119] : memref<40000x128xf32, #tpu.memory_space<hbm>> -> memref<40000x128xf32, #tpu.memory_space<hbm>>
        tpu.enqueue_indirect_dma source(%dma_start3A_120 : memref<40000x128xf32, #tpu.memory_space<hbm>>) target(%arg8 : memref<128x128xf32, #tpu.memory_space<vmem>>) offsets(%dma_start3A_117 : memref<128xi32, #tpu.memory_space<vmem>>) semaphore(%arg11 : memref<!tpu.dma_semaphore, #tpu.memory_space<semaphore_mem>>)
      } else {
      }
      %dma_wait3A_102 = arith.constant 0 : i32
      %dma_wait3A_103 = tpu.memref_slice %arg7[%add3A_84, %dma_wait3A_102] : memref<40x128xi32, #tpu.memory_space<vmem>> -> memref<1x128xi32, #tpu.memory_space<vmem>>
      %dma_wait3A_104 = tpu.memref_squeeze %dma_wait3A_103 : memref<1x128xi32, #tpu.memory_space<vmem>> -> memref<128xi32, #tpu.memory_space<vmem>>
      %dma_wait3A_105 = arith.constant 0 : i32
      %dma_wait3A_106 = arith.constant 0 : i32
      %dma_wait3A_107 = tpu.memref_slice %arg10[%dma_wait3A_105, %dma_wait3A_106] : memref<10112x128xf32, #tpu.memory_space<vmem_shared>> -> memref<10112x128xf32, #tpu.memory_space<vmem_shared>>
      tpu.wait_indirect_dma semaphore(%arg14 : memref<!tpu.dma_semaphore, #tpu.memory_space<semaphore_mem>>) src(%arg9 : memref<128x128xf32, #tpu.memory_space<vmem>>) dst(%dma_wait3A_107 : memref<10112x128xf32, #tpu.memory_space<vmem_shared>>)
      %lt3A_108 = arith.constant 19 : i32
      %lt3A_109 = arith.cmpi slt, %scan3A_61, %lt3A_108 : i32
      %convert_element_type3A_110 = arith.extui %lt3A_109 : i1 to i32
      %cond3A_111 = arith.constant 0 : i32
      %cond3A_112 = arith.cmpi ne, %convert_element_type3A_110, %cond3A_111 : i32
      scf.if %cond3A_112 {
        %add3A_113 = arith.constant 3 : i32
        %add3A_114 = arith.addi %mul3A_63, %add3A_113 : i32
        %dma_start3A_115 = arith.constant 0 : i32
        %dma_start3A_116 = tpu.memref_slice %arg6[%add3A_114, %dma_start3A_115] : memref<40x128xi32, #tpu.memory_space<vmem>> -> memref<1x128xi32, #tpu.memory_space<vmem>>
        %dma_start3A_117 = tpu.memref_squeeze %dma_start3A_116 : memref<1x128xi32, #tpu.memory_space<vmem>> -> memref<128xi32, #tpu.memory_space<vmem>>
        %dma_start3A_118 = arith.constant 0 : i32
        %dma_start3A_119 = arith.constant 0 : i32
        %dma_start3A_120 = tpu.memref_slice %arg2[%dma_start3A_118, %dma_start3A_119] : memref<40000x128xf32, #tpu.memory_space<hbm>> -> memref<40000x128xf32, #tpu.memory_space<hbm>>
        tpu.enqueue_indirect_dma source(%dma_start3A_120 : memref<40000x128xf32, #tpu.memory_space<hbm>>) target(%arg9 : memref<128x128xf32, #tpu.memory_space<vmem>>) offsets(%dma_start3A_117 : memref<128xi32, #tpu.memory_space<vmem>>) semaphore(%arg12 : memref<!tpu.dma_semaphore, #tpu.memory_space<semaphore_mem>>)
      } else {
      }
    }
    %scan3A_53 = arith.constant 20 : i32
    %barrier3A_54 = arith.constant 0 : index
    tpu.barrier barrier_id(%barrier3A_54)
    %lt3A = arith.constant 15 : i32
    %lt3A_55 = arith.cmpi slt, %arg1, %lt3A : i32
    %convert_element_type3A = arith.extui %lt3A_55 : i1 to i32
    %cond3A = arith.constant 0 : i32
    %cond3A_56 = arith.cmpi ne, %convert_element_type3A, %cond3A : i32
    scf.if %cond3A_56 {
      %add3A_61 = arith.constant 0 : i32
      %add3A_62 = arith.addi %mul3A_5, %add3A_61 : i32
      "tpu.region"() ({
        %run_scoped3A = tpu.sem_alloc : memref<!tpu.dma_semaphore, #tpu.memory_space<semaphore_mem>>
        %dma_start3A_71 = arith.constant 0 : i32
        %dma_start3A_72 = arith.constant 0 : i32
        %dma_start3A_73 = tpu.memref_slice %arg5[%arg0, %dma_start3A_71, %dma_start3A_72] : memref<2x10000x128xf32, #tpu.memory_space<hbm>> -> memref<1x10000x128xf32, #tpu.memory_space<hbm>>
        %dma_start3A_74 = tpu.memref_squeeze %dma_start3A_73 : memref<1x10000x128xf32, #tpu.memory_space<hbm>> -> memref<10000x128xf32, #tpu.memory_space<hbm>>
        %dma_start3A_75 = arith.constant 0 : i32
        %dma_start3A_76 = tpu.memref_slice %dma_start3A_74[%add3A_62, %dma_start3A_75] : memref<10000x128xf32, #tpu.memory_space<hbm>> -> memref<128x128xf32, #tpu.memory_space<hbm>>
        %dma_start3A_77 = arith.constant 0 : i32
        %dma_start3A_78 = tpu.memref_slice %arg10[%add3A_62, %dma_start3A_77] : memref<10112x128xf32, #tpu.memory_space<vmem_shared>> -> memref<128x128xf32, #tpu.memory_space<vmem_shared>>
        tpu.enqueue_dma source(%dma_start3A_78 : memref<128x128xf32, #tpu.memory_space<vmem_shared>>) target(%dma_start3A_76 : memref<128x128xf32, #tpu.memory_space<hbm>>) target_semaphore(%run_scoped3A : memref<!tpu.dma_semaphore, #tpu.memory_space<semaphore_mem>>)
        %dma_wait3A = arith.constant 0 : i32
        %dma_wait3A_79 = arith.constant 0 : i32
        %dma_wait3A_80 = tpu.memref_slice %arg5[%arg0, %dma_wait3A, %dma_wait3A_79] : memref<2x10000x128xf32, #tpu.memory_space<hbm>> -> memref<1x10000x128xf32, #tpu.memory_space<hbm>>
        %dma_wait3A_81 = tpu.memref_squeeze %dma_wait3A_80 : memref<1x10000x128xf32, #tpu.memory_space<hbm>> -> memref<10000x128xf32, #tpu.memory_space<hbm>>
        %dma_wait3A_82 = arith.constant 0 : i32
        %dma_wait3A_83 = tpu.memref_slice %dma_wait3A_81[%add3A_62, %dma_wait3A_82] : memref<10000x128xf32, #tpu.memory_space<hbm>> -> memref<128x128xf32, #tpu.memory_space<hbm>>
        %dma_wait3A_84 = arith.constant 0 : i32
        %dma_wait3A_85 = tpu.memref_slice %arg10[%add3A_62, %dma_wait3A_84] : memref<10112x128xf32, #tpu.memory_space<vmem_shared>> -> memref<128x128xf32, #tpu.memory_space<vmem_shared>>
        tpu.wait_dma2 semaphore(%run_scoped3A : memref<!tpu.dma_semaphore, #tpu.memory_space<semaphore_mem>>) src(%dma_wait3A_85 : memref<128x128xf32, #tpu.memory_space<vmem_shared>>) dst(%dma_wait3A_83 : memref<128x128xf32, #tpu.memory_space<hbm>>)
        tpu.yield
      }) : () -> ()
      %add3A_63 = arith.constant 128 : i32
      %add3A_64 = arith.addi %mul3A_5, %add3A_63 : i32
      "tpu.region"() ({
        %run_scoped3A = tpu.sem_alloc : memref<!tpu.dma_semaphore, #tpu.memory_space<semaphore_mem>>
        %dma_start3A_71 = arith.constant 0 : i32
        %dma_start3A_72 = arith.constant 0 : i32
        %dma_start3A_73 = tpu.memref_slice %arg5[%arg0, %dma_start3A_71, %dma_start3A_72] : memref<2x10000x128xf32, #tpu.memory_space<hbm>> -> memref<1x10000x128xf32, #tpu.memory_space<hbm>>
        %dma_start3A_74 = tpu.memref_squeeze %dma_start3A_73 : memref<1x10000x128xf32, #tpu.memory_space<hbm>> -> memref<10000x128xf32, #tpu.memory_space<hbm>>
        %dma_start3A_75 = arith.constant 0 : i32
        %dma_start3A_76 = tpu.memref_slice %dma_start3A_74[%add3A_64, %dma_start3A_75] : memref<10000x128xf32, #tpu.memory_space<hbm>> -> memref<128x128xf32, #tpu.memory_space<hbm>>
        %dma_start3A_77 = arith.constant 0 : i32
        %dma_start3A_78 = tpu.memref_slice %arg10[%add3A_64, %dma_start3A_77] : memref<10112x128xf32, #tpu.memory_space<vmem_shared>> -> memref<128x128xf32, #tpu.memory_space<vmem_shared>>
        tpu.enqueue_dma source(%dma_start3A_78 : memref<128x128xf32, #tpu.memory_space<vmem_shared>>) target(%dma_start3A_76 : memref<128x128xf32, #tpu.memory_space<hbm>>) target_semaphore(%run_scoped3A : memref<!tpu.dma_semaphore, #tpu.memory_space<semaphore_mem>>)
        %dma_wait3A = arith.constant 0 : i32
        %dma_wait3A_79 = arith.constant 0 : i32
        %dma_wait3A_80 = tpu.memref_slice %arg5[%arg0, %dma_wait3A, %dma_wait3A_79] : memref<2x10000x128xf32, #tpu.memory_space<hbm>> -> memref<1x10000x128xf32, #tpu.memory_space<hbm>>
        %dma_wait3A_81 = tpu.memref_squeeze %dma_wait3A_80 : memref<1x10000x128xf32, #tpu.memory_space<hbm>> -> memref<10000x128xf32, #tpu.memory_space<hbm>>
        %dma_wait3A_82 = arith.constant 0 : i32
        %dma_wait3A_83 = tpu.memref_slice %dma_wait3A_81[%add3A_64, %dma_wait3A_82] : memref<10000x128xf32, #tpu.memory_space<hbm>> -> memref<128x128xf32, #tpu.memory_space<hbm>>
        %dma_wait3A_84 = arith.constant 0 : i32
        %dma_wait3A_85 = tpu.memref_slice %arg10[%add3A_64, %dma_wait3A_84] : memref<10112x128xf32, #tpu.memory_space<vmem_shared>> -> memref<128x128xf32, #tpu.memory_space<vmem_shared>>
        tpu.wait_dma2 semaphore(%run_scoped3A : memref<!tpu.dma_semaphore, #tpu.memory_space<semaphore_mem>>) src(%dma_wait3A_85 : memref<128x128xf32, #tpu.memory_space<vmem_shared>>) dst(%dma_wait3A_83 : memref<128x128xf32, #tpu.memory_space<hbm>>)
        tpu.yield
      }) : () -> ()
      %add3A_65 = arith.constant 256 : i32
      %add3A_66 = arith.addi %mul3A_5, %add3A_65 : i32
      "tpu.region"() ({
        %run_scoped3A = tpu.sem_alloc : memref<!tpu.dma_semaphore, #tpu.memory_space<semaphore_mem>>
        %dma_start3A_71 = arith.constant 0 : i32
        %dma_start3A_72 = arith.constant 0 : i32
        %dma_start3A_73 = tpu.memref_slice %arg5[%arg0, %dma_start3A_71, %dma_start3A_72] : memref<2x10000x128xf32, #tpu.memory_space<hbm>> -> memref<1x10000x128xf32, #tpu.memory_space<hbm>>
        %dma_start3A_74 = tpu.memref_squeeze %dma_start3A_73 : memref<1x10000x128xf32, #tpu.memory_space<hbm>> -> memref<10000x128xf32, #tpu.memory_space<hbm>>
        %dma_start3A_75 = arith.constant 0 : i32
        %dma_start3A_76 = tpu.memref_slice %dma_start3A_74[%add3A_66, %dma_start3A_75] : memref<10000x128xf32, #tpu.memory_space<hbm>> -> memref<128x128xf32, #tpu.memory_space<hbm>>
        %dma_start3A_77 = arith.constant 0 : i32
        %dma_start3A_78 = tpu.memref_slice %arg10[%add3A_66, %dma_start3A_77] : memref<10112x128xf32, #tpu.memory_space<vmem_shared>> -> memref<128x128xf32, #tpu.memory_space<vmem_shared>>
        tpu.enqueue_dma source(%dma_start3A_78 : memref<128x128xf32, #tpu.memory_space<vmem_shared>>) target(%dma_start3A_76 : memref<128x128xf32, #tpu.memory_space<hbm>>) target_semaphore(%run_scoped3A : memref<!tpu.dma_semaphore, #tpu.memory_space<semaphore_mem>>)
        %dma_wait3A = arith.constant 0 : i32
        %dma_wait3A_79 = arith.constant 0 : i32
        %dma_wait3A_80 = tpu.memref_slice %arg5[%arg0, %dma_wait3A, %dma_wait3A_79] : memref<2x10000x128xf32, #tpu.memory_space<hbm>> -> memref<1x10000x128xf32, #tpu.memory_space<hbm>>
        %dma_wait3A_81 = tpu.memref_squeeze %dma_wait3A_80 : memref<1x10000x128xf32, #tpu.memory_space<hbm>> -> memref<10000x128xf32, #tpu.memory_space<hbm>>
        %dma_wait3A_82 = arith.constant 0 : i32
        %dma_wait3A_83 = tpu.memref_slice %dma_wait3A_81[%add3A_66, %dma_wait3A_82] : memref<10000x128xf32, #tpu.memory_space<hbm>> -> memref<128x128xf32, #tpu.memory_space<hbm>>
        %dma_wait3A_84 = arith.constant 0 : i32
        %dma_wait3A_85 = tpu.memref_slice %arg10[%add3A_66, %dma_wait3A_84] : memref<10112x128xf32, #tpu.memory_space<vmem_shared>> -> memref<128x128xf32, #tpu.memory_space<vmem_shared>>
        tpu.wait_dma2 semaphore(%run_scoped3A : memref<!tpu.dma_semaphore, #tpu.memory_space<semaphore_mem>>) src(%dma_wait3A_85 : memref<128x128xf32, #tpu.memory_space<vmem_shared>>) dst(%dma_wait3A_83 : memref<128x128xf32, #tpu.memory_space<hbm>>)
        tpu.yield
      }) : () -> ()
      %add3A_67 = arith.constant 384 : i32
      %add3A_68 = arith.addi %mul3A_5, %add3A_67 : i32
      "tpu.region"() ({
        %run_scoped3A = tpu.sem_alloc : memref<!tpu.dma_semaphore, #tpu.memory_space<semaphore_mem>>
        %dma_start3A_71 = arith.constant 0 : i32
        %dma_start3A_72 = arith.constant 0 : i32
        %dma_start3A_73 = tpu.memref_slice %arg5[%arg0, %dma_start3A_71, %dma_start3A_72] : memref<2x10000x128xf32, #tpu.memory_space<hbm>> -> memref<1x10000x128xf32, #tpu.memory_space<hbm>>
        %dma_start3A_74 = tpu.memref_squeeze %dma_start3A_73 : memref<1x10000x128xf32, #tpu.memory_space<hbm>> -> memref<10000x128xf32, #tpu.memory_space<hbm>>
        %dma_start3A_75 = arith.constant 0 : i32
        %dma_start3A_76 = tpu.memref_slice %dma_start3A_74[%add3A_68, %dma_start3A_75] : memref<10000x128xf32, #tpu.memory_space<hbm>> -> memref<128x128xf32, #tpu.memory_space<hbm>>
        %dma_start3A_77 = arith.constant 0 : i32
        %dma_start3A_78 = tpu.memref_slice %arg10[%add3A_68, %dma_start3A_77] : memref<10112x128xf32, #tpu.memory_space<vmem_shared>> -> memref<128x128xf32, #tpu.memory_space<vmem_shared>>
        tpu.enqueue_dma source(%dma_start3A_78 : memref<128x128xf32, #tpu.memory_space<vmem_shared>>) target(%dma_start3A_76 : memref<128x128xf32, #tpu.memory_space<hbm>>) target_semaphore(%run_scoped3A : memref<!tpu.dma_semaphore, #tpu.memory_space<semaphore_mem>>)
        %dma_wait3A = arith.constant 0 : i32
        %dma_wait3A_79 = arith.constant 0 : i32
        %dma_wait3A_80 = tpu.memref_slice %arg5[%arg0, %dma_wait3A, %dma_wait3A_79] : memref<2x10000x128xf32, #tpu.memory_space<hbm>> -> memref<1x10000x128xf32, #tpu.memory_space<hbm>>
        %dma_wait3A_81 = tpu.memref_squeeze %dma_wait3A_80 : memref<1x10000x128xf32, #tpu.memory_space<hbm>> -> memref<10000x128xf32, #tpu.memory_space<hbm>>
        %dma_wait3A_82 = arith.constant 0 : i32
        %dma_wait3A_83 = tpu.memref_slice %dma_wait3A_81[%add3A_68, %dma_wait3A_82] : memref<10000x128xf32, #tpu.memory_space<hbm>> -> memref<128x128xf32, #tpu.memory_space<hbm>>
        %dma_wait3A_84 = arith.constant 0 : i32
        %dma_wait3A_85 = tpu.memref_slice %arg10[%add3A_68, %dma_wait3A_84] : memref<10112x128xf32, #tpu.memory_space<vmem_shared>> -> memref<128x128xf32, #tpu.memory_space<vmem_shared>>
        tpu.wait_dma2 semaphore(%run_scoped3A : memref<!tpu.dma_semaphore, #tpu.memory_space<semaphore_mem>>) src(%dma_wait3A_85 : memref<128x128xf32, #tpu.memory_space<vmem_shared>>) dst(%dma_wait3A_83 : memref<128x128xf32, #tpu.memory_space<hbm>>)
        tpu.yield
      }) : () -> ()
      %add3A_69 = arith.constant 512 : i32
      %add3A_70 = arith.addi %mul3A_5, %add3A_69 : i32
      "tpu.region"() ({
        %run_scoped3A = tpu.sem_alloc : memref<!tpu.dma_semaphore, #tpu.memory_space<semaphore_mem>>
        %dma_start3A_71 = arith.constant 0 : i32
        %dma_start3A_72 = arith.constant 0 : i32
        %dma_start3A_73 = tpu.memref_slice %arg5[%arg0, %dma_start3A_71, %dma_start3A_72] : memref<2x10000x128xf32, #tpu.memory_space<hbm>> -> memref<1x10000x128xf32, #tpu.memory_space<hbm>>
        %dma_start3A_74 = tpu.memref_squeeze %dma_start3A_73 : memref<1x10000x128xf32, #tpu.memory_space<hbm>> -> memref<10000x128xf32, #tpu.memory_space<hbm>>
        %dma_start3A_75 = arith.constant 0 : i32
        %dma_start3A_76 = tpu.memref_slice %dma_start3A_74[%add3A_70, %dma_start3A_75] : memref<10000x128xf32, #tpu.memory_space<hbm>> -> memref<120x128xf32, #tpu.memory_space<hbm>>
        %dma_start3A_77 = arith.constant 0 : i32
        %dma_start3A_78 = tpu.memref_slice %arg10[%add3A_70, %dma_start3A_77] : memref<10112x128xf32, #tpu.memory_space<vmem_shared>> -> memref<120x128xf32, #tpu.memory_space<vmem_shared>>
        tpu.enqueue_dma source(%dma_start3A_78 : memref<120x128xf32, #tpu.memory_space<vmem_shared>>) target(%dma_start3A_76 : memref<120x128xf32, #tpu.memory_space<hbm>>) target_semaphore(%run_scoped3A : memref<!tpu.dma_semaphore, #tpu.memory_space<semaphore_mem>>)
        %dma_wait3A = arith.constant 0 : i32
        %dma_wait3A_79 = arith.constant 0 : i32
        %dma_wait3A_80 = tpu.memref_slice %arg5[%arg0, %dma_wait3A, %dma_wait3A_79] : memref<2x10000x128xf32, #tpu.memory_space<hbm>> -> memref<1x10000x128xf32, #tpu.memory_space<hbm>>
        %dma_wait3A_81 = tpu.memref_squeeze %dma_wait3A_80 : memref<1x10000x128xf32, #tpu.memory_space<hbm>> -> memref<10000x128xf32, #tpu.memory_space<hbm>>
        %dma_wait3A_82 = arith.constant 0 : i32
        %dma_wait3A_83 = tpu.memref_slice %dma_wait3A_81[%add3A_70, %dma_wait3A_82] : memref<10000x128xf32, #tpu.memory_space<hbm>> -> memref<120x128xf32, #tpu.memory_space<hbm>>
        %dma_wait3A_84 = arith.constant 0 : i32
        %dma_wait3A_85 = tpu.memref_slice %arg10[%add3A_70, %dma_wait3A_84] : memref<10112x128xf32, #tpu.memory_space<vmem_shared>> -> memref<120x128xf32, #tpu.memory_space<vmem_shared>>
        tpu.wait_dma2 semaphore(%run_scoped3A : memref<!tpu.dma_semaphore, #tpu.memory_space<semaphore_mem>>) src(%dma_wait3A_85 : memref<120x128xf32, #tpu.memory_space<vmem_shared>>) dst(%dma_wait3A_83 : memref<120x128xf32, #tpu.memory_space<hbm>>)
        tpu.yield
      }) : () -> ()
    } else {
    }
    %eq3A = arith.constant 15 : i32
    %eq3A_57 = arith.cmpi eq, %arg1, %eq3A : i32
    %convert_element_type3A_58 = arith.extui %eq3A_57 : i1 to i32
    %cond3A_59 = arith.constant 0 : i32
    %cond3A_60 = arith.cmpi ne, %convert_element_type3A_58, %cond3A_59 : i32
    scf.if %cond3A_60 {
      %add3A_61 = arith.constant 0 : i32
      %add3A_62 = arith.addi %mul3A_5, %add3A_61 : i32
      "tpu.region"() ({
        %run_scoped3A = tpu.sem_alloc : memref<!tpu.dma_semaphore, #tpu.memory_space<semaphore_mem>>
        %dma_start3A_71 = arith.constant 0 : i32
        %dma_start3A_72 = arith.constant 0 : i32
        %dma_start3A_73 = tpu.memref_slice %arg5[%arg0, %dma_start3A_71, %dma_start3A_72] : memref<2x10000x128xf32, #tpu.memory_space<hbm>> -> memref<1x10000x128xf32, #tpu.memory_space<hbm>>
        %dma_start3A_74 = tpu.memref_squeeze %dma_start3A_73 : memref<1x10000x128xf32, #tpu.memory_space<hbm>> -> memref<10000x128xf32, #tpu.memory_space<hbm>>
        %dma_start3A_75 = arith.constant 0 : i32
        %dma_start3A_76 = tpu.memref_slice %dma_start3A_74[%add3A_62, %dma_start3A_75] : memref<10000x128xf32, #tpu.memory_space<hbm>> -> memref<128x128xf32, #tpu.memory_space<hbm>>
        %dma_start3A_77 = arith.constant 0 : i32
        %dma_start3A_78 = tpu.memref_slice %arg10[%add3A_62, %dma_start3A_77] : memref<10112x128xf32, #tpu.memory_space<vmem_shared>> -> memref<128x128xf32, #tpu.memory_space<vmem_shared>>
        tpu.enqueue_dma source(%dma_start3A_78 : memref<128x128xf32, #tpu.memory_space<vmem_shared>>) target(%dma_start3A_76 : memref<128x128xf32, #tpu.memory_space<hbm>>) target_semaphore(%run_scoped3A : memref<!tpu.dma_semaphore, #tpu.memory_space<semaphore_mem>>)
        %dma_wait3A = arith.constant 0 : i32
        %dma_wait3A_79 = arith.constant 0 : i32
        %dma_wait3A_80 = tpu.memref_slice %arg5[%arg0, %dma_wait3A, %dma_wait3A_79] : memref<2x10000x128xf32, #tpu.memory_space<hbm>> -> memref<1x10000x128xf32, #tpu.memory_space<hbm>>
        %dma_wait3A_81 = tpu.memref_squeeze %dma_wait3A_80 : memref<1x10000x128xf32, #tpu.memory_space<hbm>> -> memref<10000x128xf32, #tpu.memory_space<hbm>>
        %dma_wait3A_82 = arith.constant 0 : i32
        %dma_wait3A_83 = tpu.memref_slice %dma_wait3A_81[%add3A_62, %dma_wait3A_82] : memref<10000x128xf32, #tpu.memory_space<hbm>> -> memref<128x128xf32, #tpu.memory_space<hbm>>
        %dma_wait3A_84 = arith.constant 0 : i32
        %dma_wait3A_85 = tpu.memref_slice %arg10[%add3A_62, %dma_wait3A_84] : memref<10112x128xf32, #tpu.memory_space<vmem_shared>> -> memref<128x128xf32, #tpu.memory_space<vmem_shared>>
        tpu.wait_dma2 semaphore(%run_scoped3A : memref<!tpu.dma_semaphore, #tpu.memory_space<semaphore_mem>>) src(%dma_wait3A_85 : memref<128x128xf32, #tpu.memory_space<vmem_shared>>) dst(%dma_wait3A_83 : memref<128x128xf32, #tpu.memory_space<hbm>>)
        tpu.yield
      }) : () -> ()
      %add3A_63 = arith.constant 128 : i32
      %add3A_64 = arith.addi %mul3A_5, %add3A_63 : i32
      "tpu.region"() ({
        %run_scoped3A = tpu.sem_alloc : memref<!tpu.dma_semaphore, #tpu.memory_space<semaphore_mem>>
        %dma_start3A_71 = arith.constant 0 : i32
        %dma_start3A_72 = arith.constant 0 : i32
        %dma_start3A_73 = tpu.memref_slice %arg5[%arg0, %dma_start3A_71, %dma_start3A_72] : memref<2x10000x128xf32, #tpu.memory_space<hbm>> -> memref<1x10000x128xf32, #tpu.memory_space<hbm>>
        %dma_start3A_74 = tpu.memref_squeeze %dma_start3A_73 : memref<1x10000x128xf32, #tpu.memory_space<hbm>> -> memref<10000x128xf32, #tpu.memory_space<hbm>>
        %dma_start3A_75 = arith.constant 0 : i32
        %dma_start3A_76 = tpu.memref_slice %dma_start3A_74[%add3A_64, %dma_start3A_75] : memref<10000x128xf32, #tpu.memory_space<hbm>> -> memref<128x128xf32, #tpu.memory_space<hbm>>
        %dma_start3A_77 = arith.constant 0 : i32
        %dma_start3A_78 = tpu.memref_slice %arg10[%add3A_64, %dma_start3A_77] : memref<10112x128xf32, #tpu.memory_space<vmem_shared>> -> memref<128x128xf32, #tpu.memory_space<vmem_shared>>
        tpu.enqueue_dma source(%dma_start3A_78 : memref<128x128xf32, #tpu.memory_space<vmem_shared>>) target(%dma_start3A_76 : memref<128x128xf32, #tpu.memory_space<hbm>>) target_semaphore(%run_scoped3A : memref<!tpu.dma_semaphore, #tpu.memory_space<semaphore_mem>>)
        %dma_wait3A = arith.constant 0 : i32
        %dma_wait3A_79 = arith.constant 0 : i32
        %dma_wait3A_80 = tpu.memref_slice %arg5[%arg0, %dma_wait3A, %dma_wait3A_79] : memref<2x10000x128xf32, #tpu.memory_space<hbm>> -> memref<1x10000x128xf32, #tpu.memory_space<hbm>>
        %dma_wait3A_81 = tpu.memref_squeeze %dma_wait3A_80 : memref<1x10000x128xf32, #tpu.memory_space<hbm>> -> memref<10000x128xf32, #tpu.memory_space<hbm>>
        %dma_wait3A_82 = arith.constant 0 : i32
        %dma_wait3A_83 = tpu.memref_slice %dma_wait3A_81[%add3A_64, %dma_wait3A_82] : memref<10000x128xf32, #tpu.memory_space<hbm>> -> memref<128x128xf32, #tpu.memory_space<hbm>>
        %dma_wait3A_84 = arith.constant 0 : i32
        %dma_wait3A_85 = tpu.memref_slice %arg10[%add3A_64, %dma_wait3A_84] : memref<10112x128xf32, #tpu.memory_space<vmem_shared>> -> memref<128x128xf32, #tpu.memory_space<vmem_shared>>
        tpu.wait_dma2 semaphore(%run_scoped3A : memref<!tpu.dma_semaphore, #tpu.memory_space<semaphore_mem>>) src(%dma_wait3A_85 : memref<128x128xf32, #tpu.memory_space<vmem_shared>>) dst(%dma_wait3A_83 : memref<128x128xf32, #tpu.memory_space<hbm>>)
        tpu.yield
      }) : () -> ()
      %add3A_65 = arith.constant 256 : i32
      %add3A_66 = arith.addi %mul3A_5, %add3A_65 : i32
      "tpu.region"() ({
        %run_scoped3A = tpu.sem_alloc : memref<!tpu.dma_semaphore, #tpu.memory_space<semaphore_mem>>
        %dma_start3A_71 = arith.constant 0 : i32
        %dma_start3A_72 = arith.constant 0 : i32
        %dma_start3A_73 = tpu.memref_slice %arg5[%arg0, %dma_start3A_71, %dma_start3A_72] : memref<2x10000x128xf32, #tpu.memory_space<hbm>> -> memref<1x10000x128xf32, #tpu.memory_space<hbm>>
        %dma_start3A_74 = tpu.memref_squeeze %dma_start3A_73 : memref<1x10000x128xf32, #tpu.memory_space<hbm>> -> memref<10000x128xf32, #tpu.memory_space<hbm>>
        %dma_start3A_75 = arith.constant 0 : i32
        %dma_start3A_76 = tpu.memref_slice %dma_start3A_74[%add3A_66, %dma_start3A_75] : memref<10000x128xf32, #tpu.memory_space<hbm>> -> memref<128x128xf32, #tpu.memory_space<hbm>>
        %dma_start3A_77 = arith.constant 0 : i32
        %dma_start3A_78 = tpu.memref_slice %arg10[%add3A_66, %dma_start3A_77] : memref<10112x128xf32, #tpu.memory_space<vmem_shared>> -> memref<128x128xf32, #tpu.memory_space<vmem_shared>>
        tpu.enqueue_dma source(%dma_start3A_78 : memref<128x128xf32, #tpu.memory_space<vmem_shared>>) target(%dma_start3A_76 : memref<128x128xf32, #tpu.memory_space<hbm>>) target_semaphore(%run_scoped3A : memref<!tpu.dma_semaphore, #tpu.memory_space<semaphore_mem>>)
        %dma_wait3A = arith.constant 0 : i32
        %dma_wait3A_79 = arith.constant 0 : i32
        %dma_wait3A_80 = tpu.memref_slice %arg5[%arg0, %dma_wait3A, %dma_wait3A_79] : memref<2x10000x128xf32, #tpu.memory_space<hbm>> -> memref<1x10000x128xf32, #tpu.memory_space<hbm>>
        %dma_wait3A_81 = tpu.memref_squeeze %dma_wait3A_80 : memref<1x10000x128xf32, #tpu.memory_space<hbm>> -> memref<10000x128xf32, #tpu.memory_space<hbm>>
        %dma_wait3A_82 = arith.constant 0 : i32
        %dma_wait3A_83 = tpu.memref_slice %dma_wait3A_81[%add3A_66, %dma_wait3A_82] : memref<10000x128xf32, #tpu.memory_space<hbm>> -> memref<128x128xf32, #tpu.memory_space<hbm>>
        %dma_wait3A_84 = arith.constant 0 : i32
        %dma_wait3A_85 = tpu.memref_slice %arg10[%add3A_66, %dma_wait3A_84] : memref<10112x128xf32, #tpu.memory_space<vmem_shared>> -> memref<128x128xf32, #tpu.memory_space<vmem_shared>>
        tpu.wait_dma2 semaphore(%run_scoped3A : memref<!tpu.dma_semaphore, #tpu.memory_space<semaphore_mem>>) src(%dma_wait3A_85 : memref<128x128xf32, #tpu.memory_space<vmem_shared>>) dst(%dma_wait3A_83 : memref<128x128xf32, #tpu.memory_space<hbm>>)
        tpu.yield
      }) : () -> ()
      %add3A_67 = arith.constant 384 : i32
      %add3A_68 = arith.addi %mul3A_5, %add3A_67 : i32
      "tpu.region"() ({
        %run_scoped3A = tpu.sem_alloc : memref<!tpu.dma_semaphore, #tpu.memory_space<semaphore_mem>>
        %dma_start3A_71 = arith.constant 0 : i32
        %dma_start3A_72 = arith.constant 0 : i32
        %dma_start3A_73 = tpu.memref_slice %arg5[%arg0, %dma_start3A_71, %dma_start3A_72] : memref<2x10000x128xf32, #tpu.memory_space<hbm>> -> memref<1x10000x128xf32, #tpu.memory_space<hbm>>
        %dma_start3A_74 = tpu.memref_squeeze %dma_start3A_73 : memref<1x10000x128xf32, #tpu.memory_space<hbm>> -> memref<10000x128xf32, #tpu.memory_space<hbm>>
        %dma_start3A_75 = arith.constant 0 : i32
        %dma_start3A_76 = tpu.memref_slice %dma_start3A_74[%add3A_68, %dma_start3A_75] : memref<10000x128xf32, #tpu.memory_space<hbm>> -> memref<128x128xf32, #tpu.memory_space<hbm>>
        %dma_start3A_77 = arith.constant 0 : i32
        %dma_start3A_78 = tpu.memref_slice %arg10[%add3A_68, %dma_start3A_77] : memref<10112x128xf32, #tpu.memory_space<vmem_shared>> -> memref<128x128xf32, #tpu.memory_space<vmem_shared>>
        tpu.enqueue_dma source(%dma_start3A_78 : memref<128x128xf32, #tpu.memory_space<vmem_shared>>) target(%dma_start3A_76 : memref<128x128xf32, #tpu.memory_space<hbm>>) target_semaphore(%run_scoped3A : memref<!tpu.dma_semaphore, #tpu.memory_space<semaphore_mem>>)
        %dma_wait3A = arith.constant 0 : i32
        %dma_wait3A_79 = arith.constant 0 : i32
        %dma_wait3A_80 = tpu.memref_slice %arg5[%arg0, %dma_wait3A, %dma_wait3A_79] : memref<2x10000x128xf32, #tpu.memory_space<hbm>> -> memref<1x10000x128xf32, #tpu.memory_space<hbm>>
        %dma_wait3A_81 = tpu.memref_squeeze %dma_wait3A_80 : memref<1x10000x128xf32, #tpu.memory_space<hbm>> -> memref<10000x128xf32, #tpu.memory_space<hbm>>
        %dma_wait3A_82 = arith.constant 0 : i32
        %dma_wait3A_83 = tpu.memref_slice %dma_wait3A_81[%add3A_68, %dma_wait3A_82] : memref<10000x128xf32, #tpu.memory_space<hbm>> -> memref<128x128xf32, #tpu.memory_space<hbm>>
        %dma_wait3A_84 = arith.constant 0 : i32
        %dma_wait3A_85 = tpu.memref_slice %arg10[%add3A_68, %dma_wait3A_84] : memref<10112x128xf32, #tpu.memory_space<vmem_shared>> -> memref<128x128xf32, #tpu.memory_space<vmem_shared>>
        tpu.wait_dma2 semaphore(%run_scoped3A : memref<!tpu.dma_semaphore, #tpu.memory_space<semaphore_mem>>) src(%dma_wait3A_85 : memref<128x128xf32, #tpu.memory_space<vmem_shared>>) dst(%dma_wait3A_83 : memref<128x128xf32, #tpu.memory_space<hbm>>)
        tpu.yield
      }) : () -> ()
      %add3A_69 = arith.constant 512 : i32
      %add3A_70 = arith.addi %mul3A_5, %add3A_69 : i32
      "tpu.region"() ({
        %run_scoped3A = tpu.sem_alloc : memref<!tpu.dma_semaphore, #tpu.memory_space<semaphore_mem>>
        %dma_start3A_71 = arith.constant 0 : i32
        %dma_start3A_72 = arith.constant 0 : i32
        %dma_start3A_73 = tpu.memref_slice %arg5[%arg0, %dma_start3A_71, %dma_start3A_72] : memref<2x10000x128xf32, #tpu.memory_space<hbm>> -> memref<1x10000x128xf32, #tpu.memory_space<hbm>>
        %dma_start3A_74 = tpu.memref_squeeze %dma_start3A_73 : memref<1x10000x128xf32, #tpu.memory_space<hbm>> -> memref<10000x128xf32, #tpu.memory_space<hbm>>
        %dma_start3A_75 = arith.constant 0 : i32
        %dma_start3A_76 = tpu.memref_slice %dma_start3A_74[%add3A_70, %dma_start3A_75] : memref<10000x128xf32, #tpu.memory_space<hbm>> -> memref<8x128xf32, #tpu.memory_space<hbm>>
        %dma_start3A_77 = arith.constant 0 : i32
        %dma_start3A_78 = tpu.memref_slice %arg10[%add3A_70, %dma_start3A_77] : memref<10112x128xf32, #tpu.memory_space<vmem_shared>> -> memref<8x128xf32, #tpu.memory_space<vmem_shared>>
        tpu.enqueue_dma source(%dma_start3A_78 : memref<8x128xf32, #tpu.memory_space<vmem_shared>>) target(%dma_start3A_76 : memref<8x128xf32, #tpu.memory_space<hbm>>) target_semaphore(%run_scoped3A : memref<!tpu.dma_semaphore, #tpu.memory_space<semaphore_mem>>)
        %dma_wait3A = arith.constant 0 : i32
        %dma_wait3A_79 = arith.constant 0 : i32
        %dma_wait3A_80 = tpu.memref_slice %arg5[%arg0, %dma_wait3A, %dma_wait3A_79] : memref<2x10000x128xf32, #tpu.memory_space<hbm>> -> memref<1x10000x128xf32, #tpu.memory_space<hbm>>
        %dma_wait3A_81 = tpu.memref_squeeze %dma_wait3A_80 : memref<1x10000x128xf32, #tpu.memory_space<hbm>> -> memref<10000x128xf32, #tpu.memory_space<hbm>>
        %dma_wait3A_82 = arith.constant 0 : i32
        %dma_wait3A_83 = tpu.memref_slice %dma_wait3A_81[%add3A_70, %dma_wait3A_82] : memref<10000x128xf32, #tpu.memory_space<hbm>> -> memref<8x128xf32, #tpu.memory_space<hbm>>
        %dma_wait3A_84 = arith.constant 0 : i32
        %dma_wait3A_85 = tpu.memref_slice %arg10[%add3A_70, %dma_wait3A_84] : memref<10112x128xf32, #tpu.memory_space<vmem_shared>> -> memref<8x128xf32, #tpu.memory_space<vmem_shared>>
        tpu.wait_dma2 semaphore(%run_scoped3A : memref<!tpu.dma_semaphore, #tpu.memory_space<semaphore_mem>>) src(%dma_wait3A_85 : memref<8x128xf32, #tpu.memory_space<vmem_shared>>) dst(%dma_wait3A_83 : memref<8x128xf32, #tpu.memory_space<hbm>>)
        tpu.yield
      }) : () -> ()
    } else {
    }
    return
  }
}

module attributes {stable_mosaic.version = 14 : i64} {
  func.func @_table_body(%arg0: i32, %arg1: memref<10000x128xf32, #tpu.memory_space<vmem>>, %arg2: memref<4x128xf32, #tpu.memory_space<vmem>>, %arg3: memref<4x10000x128xf32, #tpu.memory_space<vmem>>) attributes {dimension_semantics = [#tpu.dimension_semantics<arbitrary>], iteration_bounds = array<i64: 1>, scalar_prefetch = 0 : i64, scratch_operands = 0 : i64, tpu.core_type = #tpu.core_type<tc>, window_params = [{transform_indices = @transform_0, window_bounds = array<i64: 10000, 128>}, {pipeline_mode = #tpu.pipeline_mode<synchronous>, transform_indices = @transform_1, window_bounds = array<i64: 4, 128>}, {transform_indices = @transform_2, window_bounds = array<i64: 4, 10000, 128>}]} {
    %get3A = arith.constant 0 : index
    %get3A_0 = arith.constant 0 : index
    %get3A_1 = vector.load %arg1[%get3A, %get3A_0] : memref<10000x128xf32, #tpu.memory_space<vmem>>, vector<10000x128xf32>
    %get3A_2 = arith.constant 0 : index
    %get3A_3 = arith.constant 0 : index
    %get3A_4 = vector.load %arg2[%get3A_2, %get3A_3] : memref<4x128xf32, #tpu.memory_space<vmem>>, vector<1x128xf32>
    %get3A_5 = vector.shape_cast %get3A_4 : vector<1x128xf32> to vector<128xf32>
    %broadcast_in_dim3A = vector.shape_cast %get3A_5 : vector<128xf32> to vector<1x128xf32>
    %add3A = vector.broadcast %broadcast_in_dim3A : vector<1x128xf32> to vector<10000x128xf32>
    %add3A_6 = arith.addf %get3A_1, %add3A : vector<10000x128xf32>
    %max3A = arith.constant 0.000000e+00 : f32
    %max3A_7 = vector.broadcast %max3A : f32 to vector<10000x128xf32>
    %max3A_8 = arith.maximumf %add3A_6, %max3A_7 : vector<10000x128xf32>
    %swap3A = arith.constant 0 : index
    %swap3A_9 = arith.constant 0 : index
    %swap3A_10 = arith.constant 0 : index
    %swap3A_11 = vector.load %arg3[%swap3A, %swap3A_9, %swap3A_10] : memref<4x10000x128xf32, #tpu.memory_space<vmem>>, vector<1x10000x128xf32>
    %swap3A_12 = vector.shape_cast %swap3A_11 : vector<1x10000x128xf32> to vector<10000x128xf32>
    %swap3A_13 = vector.shape_cast %max3A_8 : vector<10000x128xf32> to vector<1x10000x128xf32>
    tpu.vector_store %arg3[%swap3A, %swap3A_9, %swap3A_10], %swap3A_13 {strides = array<i32>} : memref<4x10000x128xf32, #tpu.memory_space<vmem>>, vector<1x10000x128xf32>,
    %get3A_14 = arith.constant 1 : index
    %get3A_15 = arith.constant 0 : index
    %get3A_16 = vector.load %arg2[%get3A_14, %get3A_15] : memref<4x128xf32, #tpu.memory_space<vmem>>, vector<1x128xf32>
    %get3A_17 = vector.shape_cast %get3A_16 : vector<1x128xf32> to vector<128xf32>
    %broadcast_in_dim3A_18 = vector.shape_cast %get3A_17 : vector<128xf32> to vector<1x128xf32>
    %add3A_19 = vector.broadcast %broadcast_in_dim3A_18 : vector<1x128xf32> to vector<10000x128xf32>
    %add3A_20 = arith.addf %get3A_1, %add3A_19 : vector<10000x128xf32>
    %max3A_21 = arith.constant 0.000000e+00 : f32
    %max3A_22 = vector.broadcast %max3A_21 : f32 to vector<10000x128xf32>
    %max3A_23 = arith.maximumf %add3A_20, %max3A_22 : vector<10000x128xf32>
    %swap3A_24 = arith.constant 1 : index
    %swap3A_25 = arith.constant 0 : index
    %swap3A_26 = arith.constant 0 : index
    %swap3A_27 = vector.load %arg3[%swap3A_24, %swap3A_25, %swap3A_26] : memref<4x10000x128xf32, #tpu.memory_space<vmem>>, vector<1x10000x128xf32>
    %swap3A_28 = vector.shape_cast %swap3A_27 : vector<1x10000x128xf32> to vector<10000x128xf32>
    %swap3A_29 = vector.shape_cast %max3A_23 : vector<10000x128xf32> to vector<1x10000x128xf32>
    tpu.vector_store %arg3[%swap3A_24, %swap3A_25, %swap3A_26], %swap3A_29 {strides = array<i32>} : memref<4x10000x128xf32, #tpu.memory_space<vmem>>, vector<1x10000x128xf32>,
    %get3A_30 = arith.constant 2 : index
    %get3A_31 = arith.constant 0 : index
    %get3A_32 = vector.load %arg2[%get3A_30, %get3A_31] : memref<4x128xf32, #tpu.memory_space<vmem>>, vector<1x128xf32>
    %get3A_33 = vector.shape_cast %get3A_32 : vector<1x128xf32> to vector<128xf32>
    %broadcast_in_dim3A_34 = vector.shape_cast %get3A_33 : vector<128xf32> to vector<1x128xf32>
    %add3A_35 = vector.broadcast %broadcast_in_dim3A_34 : vector<1x128xf32> to vector<10000x128xf32>
    %add3A_36 = arith.addf %get3A_1, %add3A_35 : vector<10000x128xf32>
    %max3A_37 = arith.constant 0.000000e+00 : f32
    %max3A_38 = vector.broadcast %max3A_37 : f32 to vector<10000x128xf32>
    %max3A_39 = arith.maximumf %add3A_36, %max3A_38 : vector<10000x128xf32>
    %swap3A_40 = arith.constant 2 : index
    %swap3A_41 = arith.constant 0 : index
    %swap3A_42 = arith.constant 0 : index
    %swap3A_43 = vector.load %arg3[%swap3A_40, %swap3A_41, %swap3A_42] : memref<4x10000x128xf32, #tpu.memory_space<vmem>>, vector<1x10000x128xf32>
    %swap3A_44 = vector.shape_cast %swap3A_43 : vector<1x10000x128xf32> to vector<10000x128xf32>
    %swap3A_45 = vector.shape_cast %max3A_39 : vector<10000x128xf32> to vector<1x10000x128xf32>
    tpu.vector_store %arg3[%swap3A_40, %swap3A_41, %swap3A_42], %swap3A_45 {strides = array<i32>} : memref<4x10000x128xf32, #tpu.memory_space<vmem>>, vector<1x10000x128xf32>,
    %get3A_46 = arith.constant 3 : index
    %get3A_47 = arith.constant 0 : index
    %get3A_48 = vector.load %arg2[%get3A_46, %get3A_47] : memref<4x128xf32, #tpu.memory_space<vmem>>, vector<1x128xf32>
    %get3A_49 = vector.shape_cast %get3A_48 : vector<1x128xf32> to vector<128xf32>
    %broadcast_in_dim3A_50 = vector.shape_cast %get3A_49 : vector<128xf32> to vector<1x128xf32>
    %add3A_51 = vector.broadcast %broadcast_in_dim3A_50 : vector<1x128xf32> to vector<10000x128xf32>
    %add3A_52 = arith.addf %get3A_1, %add3A_51 : vector<10000x128xf32>
    %max3A_53 = arith.constant 0.000000e+00 : f32
    %max3A_54 = vector.broadcast %max3A_53 : f32 to vector<10000x128xf32>
    %max3A_55 = arith.maximumf %add3A_52, %max3A_54 : vector<10000x128xf32>
    %swap3A_56 = arith.constant 3 : index
    %swap3A_57 = arith.constant 0 : index
    %swap3A_58 = arith.constant 0 : index
    %swap3A_59 = vector.load %arg3[%swap3A_56, %swap3A_57, %swap3A_58] : memref<4x10000x128xf32, #tpu.memory_space<vmem>>, vector<1x10000x128xf32>
    %swap3A_60 = vector.shape_cast %swap3A_59 : vector<1x10000x128xf32> to vector<10000x128xf32>
    %swap3A_61 = vector.shape_cast %max3A_55 : vector<10000x128xf32> to vector<1x10000x128xf32>
    tpu.vector_store %arg3[%swap3A_56, %swap3A_57, %swap3A_58], %swap3A_61 {strides = array<i32>} : memref<4x10000x128xf32, #tpu.memory_space<vmem>>, vector<1x10000x128xf32>,
    return
  }
  func.func @transform_0(%arg0: i32) -> (i32, i32) {
    %c0_i32 = arith.constant 0 : i32
    %c0_i32_0 = arith.constant 0 : i32
    return %arg0, %c0_i32 : i32, i32
  }
  func.func @transform_1(%arg0: i32) -> (i32, i32) {
    %c0_i32 = arith.constant 0 : i32
    %c0_i32_0 = arith.constant 0 : i32
    %c0_i32_1 = arith.constant 0 : i32
    return %c0_i32, %c0_i32_0 : i32, i32
  }
  func.func @transform_2(%arg0: i32) -> (i32, i32, i32) {
    %c0_i32 = arith.constant 0 : i32
    %c0_i32_0 = arith.constant 0 : i32
    %c0_i32_1 = arith.constant 0 : i32
    return %c0_i32, %arg0, %c0_i32_0 : i32, i32, i32
  }
}

module attributes {stable_mosaic.version = 14 : i64} {
  func.func @_mlp_body(%arg0: i32, %arg1: i32, %arg2: memref<1x1xf32, #tpu.memory_space<vmem>>, %arg3: memref<2000x128xf32, #tpu.memory_space<vmem>>, %arg4: memref<2000x128xf32, #tpu.memory_space<vmem>>, %arg5: memref<2000x128xf32, #tpu.memory_space<vmem>>, %arg6: memref<128x128xf32, #tpu.memory_space<vmem>>, %arg7: memref<1x128xf32, #tpu.memory_space<vmem>>, %arg8: memref<1x128xf32, #tpu.memory_space<vmem>>, %arg9: memref<1x128xf32, #tpu.memory_space<vmem>>, %arg10: memref<128x128xf32, #tpu.memory_space<vmem>>, %arg11: memref<1x128xf32, #tpu.memory_space<vmem>>, %arg12: memref<2000x128xf32, #tpu.memory_space<vmem>>, %arg13: memref<10000x128xf32, #tpu.memory_space<vmem>>, %arg14: memref<8x128xf32, #tpu.memory_space<vmem>>) attributes {dimension_semantics = [#tpu.dimension_semantics<arbitrary>, #tpu.dimension_semantics<arbitrary>], iteration_bounds = array<i64: 2, 5>, scalar_prefetch = 0 : i64, scratch_operands = 2 : i64, tpu.core_type = #tpu.core_type<tc>, window_params = [{pipeline_mode = #tpu.pipeline_mode<synchronous>, transform_indices = @transform_0, window_bounds = array<i64: 1, 1>}, {transform_indices = @transform_1, window_bounds = array<i64: 2000, 128>}, {transform_indices = @transform_2, window_bounds = array<i64: 2000, 128>}, {transform_indices = @transform_3, window_bounds = array<i64: 2000, 128>}, {pipeline_mode = #tpu.pipeline_mode<synchronous>, transform_indices = @transform_4, window_bounds = array<i64: 128, 128>}, {pipeline_mode = #tpu.pipeline_mode<synchronous>, transform_indices = @transform_5, window_bounds = array<i64: 1, 128>}, {pipeline_mode = #tpu.pipeline_mode<synchronous>, transform_indices = @transform_6, window_bounds = array<i64: 1, 128>}, {pipeline_mode = #tpu.pipeline_mode<synchronous>, transform_indices = @transform_7, window_bounds = array<i64: 1, 128>}, {pipeline_mode = #tpu.pipeline_mode<synchronous>, transform_indices = @transform_8, window_bounds = array<i64: 128, 128>}, {pipeline_mode = #tpu.pipeline_mode<synchronous>, transform_indices = @transform_9, window_bounds = array<i64: 1, 128>}, {transform_indices = @transform_10, window_bounds = array<i64: 2000, 128>}]} {
    %eq3A = arith.constant 0 : i32
    %eq3A_0 = arith.cmpi eq, %arg0, %eq3A : i32
    %convert_element_type3A = arith.extui %eq3A_0 : i1 to i32
    %cond3A = arith.constant 0 : i32
    %cond3A_1 = arith.cmpi ne, %convert_element_type3A, %cond3A : i32
    scf.if %cond3A_1 {
      %get3A = arith.constant 0 : index
      %get3A_7 = arith.constant 0 : index
      %get3A_8 = vector.load %arg2[%get3A, %get3A_7] : memref<1x1xf32, #tpu.memory_space<vmem>>, vector<1x1xf32>
      %get3A_9 = vector.extract %get3A_8[0, 0] : f32 from vector<1x1xf32>
      %add3A = arith.constant 1.000000e+00 : f32
      %add3A_10 = arith.addf %add3A, %get3A_9 : f32
      %get3A_11 = arith.constant 0 : index
      %get3A_12 = arith.constant 0 : index
      %get3A_13 = vector.load %arg3[%get3A_11, %get3A_12] : memref<2000x128xf32, #tpu.memory_space<vmem>>, vector<2000x128xf32>
      %mul3A = vector.broadcast %add3A_10 : f32 to vector<2000x128xf32>
      %mul3A_14 = arith.mulf %mul3A, %get3A_13 : vector<2000x128xf32>
      %get3A_15 = arith.constant 0 : index
      %get3A_16 = arith.constant 0 : index
      %get3A_17 = vector.load %arg4[%get3A_15, %get3A_16] : memref<2000x128xf32, #tpu.memory_space<vmem>>, vector<2000x128xf32>
      %add3A_18 = arith.addf %mul3A_14, %get3A_17 : vector<2000x128xf32>
      %get3A_19 = arith.constant 0 : index
      %get3A_20 = arith.constant 0 : index
      %get3A_21 = vector.load %arg5[%get3A_19, %get3A_20] : memref<2000x128xf32, #tpu.memory_space<vmem>>, vector<2000x128xf32>
      %add3A_22 = arith.addf %add3A_18, %get3A_21 : vector<2000x128xf32>
      %get3A_23 = arith.constant 0 : index
      %get3A_24 = arith.constant 0 : index
      %get3A_25 = vector.load %arg6[%get3A_23, %get3A_24] : memref<128x128xf32, #tpu.memory_space<vmem>>, vector<128x128xf32>
      %dot_general3A = arith.constant dense<0.000000e+00> : vector<2000x128xf32>
      %dot_general3A_26 = tpu.matmul %add3A_22, %get3A_25, %dot_general3A {dimension_numbers = #tpu.dot_dimension_numbers<[1], [0], [0], [1], [0, 0, 1, 1], [], []>, transpose_lhs_hint = false} : vector<2000x128xf32>, vector<128x128xf32>, vector<2000x128xf32> -> vector<2000x128xf32>
      %get3A_27 = arith.constant 0 : index
      %get3A_28 = arith.constant 0 : index
      %get3A_29 = vector.load %arg7[%get3A_27, %get3A_28] : memref<1x128xf32, #tpu.memory_space<vmem>>, vector<1x128xf32>
      %add3A_30 = vector.broadcast %get3A_29 : vector<1x128xf32> to vector<2000x128xf32>
      %add3A_31 = arith.addf %dot_general3A_26, %add3A_30 : vector<2000x128xf32>
      %mul3A_32 = arith.constant 2000 : i32
      %mul3A_33 = arith.muli %arg1, %mul3A_32 : i32
      %swap3A = arith.index_cast %mul3A_33 : i32 to index
      %swap3A_34 = arith.constant 0 : index
      %swap3A_35 = vector.load %arg13[%swap3A, %swap3A_34] : memref<10000x128xf32, #tpu.memory_space<vmem>>, vector<2000x128xf32>
      tpu.vector_store %arg13[%swap3A, %swap3A_34], %add3A_31 {strides = array<i32>} : memref<10000x128xf32, #tpu.memory_space<vmem>>, vector<2000x128xf32>,
      %reduce_sum3A = arith.constant dense<0.000000e+00> : vector<128xf32>
      %reduce_sum3A_36 = vector.multi_reduction <add>, %add3A_31, %reduce_sum3A [0] : vector<2000x128xf32> to vector<128xf32>
      %broadcast_in_dim3A = vector.shape_cast %reduce_sum3A_36 : vector<128xf32> to vector<1x128xf32>
      %mul3A_37 = arith.mulf %add3A_31, %add3A_31 : vector<2000x128xf32>
      %reduce_sum3A_38 = arith.constant dense<0.000000e+00> : vector<128xf32>
      %reduce_sum3A_39 = vector.multi_reduction <add>, %mul3A_37, %reduce_sum3A_38 [0] : vector<2000x128xf32> to vector<128xf32>
      %broadcast_in_dim3A_40 = vector.shape_cast %reduce_sum3A_39 : vector<128xf32> to vector<1x128xf32>
      %eq3A_41 = arith.constant 0 : i32
      %eq3A_42 = arith.cmpi eq, %arg1, %eq3A_41 : i32
      %convert_element_type3A_43 = arith.extui %eq3A_42 : i1 to i32
      %cond3A_44 = arith.constant 0 : i32
      %cond3A_45 = arith.cmpi ne, %convert_element_type3A_43, %cond3A_44 : i32
      scf.if %cond3A_45 {
        %swap3A_50 = arith.constant 0 : index
        %swap3A_51 = arith.constant 0 : index
        %swap3A_52 = vector.load %arg14[%swap3A_50, %swap3A_51] : memref<8x128xf32, #tpu.memory_space<vmem>>, vector<1x128xf32>
        tpu.vector_store %arg14[%swap3A_50, %swap3A_51], %broadcast_in_dim3A {strides = array<i32>} : memref<8x128xf32, #tpu.memory_space<vmem>>, vector<1x128xf32>,
        %swap3A_53 = arith.constant 1 : index
        %swap3A_54 = arith.constant 0 : index
        %swap3A_55 = vector.load %arg14[%swap3A_53, %swap3A_54] : memref<8x128xf32, #tpu.memory_space<vmem>>, vector<1x128xf32>
        tpu.vector_store %arg14[%swap3A_53, %swap3A_54], %broadcast_in_dim3A_40 {strides = array<i32>} : memref<8x128xf32, #tpu.memory_space<vmem>>, vector<1x128xf32>,
      } else {
      }
      %ne3A = arith.constant 0 : i32
      %ne3A_46 = arith.cmpi ne, %arg1, %ne3A : i32
      %convert_element_type3A_47 = arith.extui %ne3A_46 : i1 to i32
      %cond3A_48 = arith.constant 0 : i32
      %cond3A_49 = arith.cmpi ne, %convert_element_type3A_47, %cond3A_48 : i32
      scf.if %cond3A_49 {
        %get3A_50 = arith.constant 0 : index
        %get3A_51 = arith.constant 0 : index
        %get3A_52 = vector.load %arg14[%get3A_50, %get3A_51] : memref<8x128xf32, #tpu.memory_space<vmem>>, vector<1x128xf32>
        %add3A_53 = arith.addf %get3A_52, %broadcast_in_dim3A : vector<1x128xf32>
        %swap3A_54 = arith.constant 0 : index
        %swap3A_55 = arith.constant 0 : index
        %swap3A_56 = vector.load %arg14[%swap3A_54, %swap3A_55] : memref<8x128xf32, #tpu.memory_space<vmem>>, vector<1x128xf32>
        tpu.vector_store %arg14[%swap3A_54, %swap3A_55], %add3A_53 {strides = array<i32>} : memref<8x128xf32, #tpu.memory_space<vmem>>, vector<1x128xf32>,
        %get3A_57 = arith.constant 1 : index
        %get3A_58 = arith.constant 0 : index
        %get3A_59 = vector.load %arg14[%get3A_57, %get3A_58] : memref<8x128xf32, #tpu.memory_space<vmem>>, vector<1x128xf32>
        %add3A_60 = arith.addf %get3A_59, %broadcast_in_dim3A_40 : vector<1x128xf32>
        %swap3A_61 = arith.constant 1 : index
        %swap3A_62 = arith.constant 0 : index
        %swap3A_63 = vector.load %arg14[%swap3A_61, %swap3A_62] : memref<8x128xf32, #tpu.memory_space<vmem>>, vector<1x128xf32>
        tpu.vector_store %arg14[%swap3A_61, %swap3A_62], %add3A_60 {strides = array<i32>} : memref<8x128xf32, #tpu.memory_space<vmem>>, vector<1x128xf32>,
      } else {
      }
    } else {
    }
    %eq3A_2 = arith.constant 1 : i32
    %eq3A_3 = arith.cmpi eq, %arg0, %eq3A_2 : i32
    %convert_element_type3A_4 = arith.extui %eq3A_3 : i1 to i32
    %cond3A_5 = arith.constant 0 : i32
    %cond3A_6 = arith.cmpi ne, %convert_element_type3A_4, %cond3A_5 : i32
    scf.if %cond3A_6 {
      %get3A = arith.constant 0 : index
      %get3A_7 = arith.constant 0 : index
      %get3A_8 = vector.load %arg14[%get3A, %get3A_7] : memref<8x128xf32, #tpu.memory_space<vmem>>, vector<1x128xf32>
      %div3A = arith.constant 1.000000e+04 : f32
      %div3A_9 = vector.broadcast %div3A : f32 to vector<1x128xf32>
      %div3A_10 = arith.divf %get3A_8, %div3A_9 : vector<1x128xf32>
      %get3A_11 = arith.constant 1 : index
      %get3A_12 = arith.constant 0 : index
      %get3A_13 = vector.load %arg14[%get3A_11, %get3A_12] : memref<8x128xf32, #tpu.memory_space<vmem>>, vector<1x128xf32>
      %div3A_14 = arith.constant 1.000000e+04 : f32
      %div3A_15 = vector.broadcast %div3A_14 : f32 to vector<1x128xf32>
      %div3A_16 = arith.divf %get3A_13, %div3A_15 : vector<1x128xf32>
      %mul3A = arith.mulf %div3A_10, %div3A_10 : vector<1x128xf32>
      %sub3A = arith.subf %div3A_16, %mul3A : vector<1x128xf32>
      %mul3A_17 = arith.constant 2000 : i32
      %mul3A_18 = arith.muli %arg1, %mul3A_17 : i32
      %get3A_19 = arith.index_cast %mul3A_18 : i32 to index
      %get3A_20 = arith.constant 0 : index
      %get3A_21 = vector.load %arg13[%get3A_19, %get3A_20] : memref<10000x128xf32, #tpu.memory_space<vmem>>, vector<2000x128xf32>
      %sub3A_22 = vector.broadcast %div3A_10 : vector<1x128xf32> to vector<2000x128xf32>
      %sub3A_23 = arith.subf %get3A_21, %sub3A_22 : vector<2000x128xf32>
      %add3A = arith.constant 9.99999974E-6 : f32
      %add3A_24 = vector.broadcast %add3A : f32 to vector<1x128xf32>
      %add3A_25 = arith.addf %sub3A, %add3A_24 : vector<1x128xf32>
      %rsqrt3A = math.rsqrt %add3A_25 : vector<1x128xf32>
      %get3A_26 = arith.constant 0 : index
      %get3A_27 = arith.constant 0 : index
      %get3A_28 = vector.load %arg8[%get3A_26, %get3A_27] : memref<1x128xf32, #tpu.memory_space<vmem>>, vector<1x128xf32>
      %mul3A_29 = arith.mulf %rsqrt3A, %get3A_28 : vector<1x128xf32>
      %mul3A_30 = vector.broadcast %mul3A_29 : vector<1x128xf32> to vector<2000x128xf32>
      %mul3A_31 = arith.mulf %sub3A_23, %mul3A_30 : vector<2000x128xf32>
      %get3A_32 = arith.constant 0 : index
      %get3A_33 = arith.constant 0 : index
      %get3A_34 = vector.load %arg9[%get3A_32, %get3A_33] : memref<1x128xf32, #tpu.memory_space<vmem>>, vector<1x128xf32>
      %add3A_35 = vector.broadcast %get3A_34 : vector<1x128xf32> to vector<2000x128xf32>
      %add3A_36 = arith.addf %mul3A_31, %add3A_35 : vector<2000x128xf32>
      %max3A = arith.constant 0.000000e+00 : f32
      %max3A_37 = vector.broadcast %max3A : f32 to vector<2000x128xf32>
      %max3A_38 = arith.maximumf %add3A_36, %max3A_37 : vector<2000x128xf32>
      %get3A_39 = arith.constant 0 : index
      %get3A_40 = arith.constant 0 : index
      %get3A_41 = vector.load %arg10[%get3A_39, %get3A_40] : memref<128x128xf32, #tpu.memory_space<vmem>>, vector<128x128xf32>
      %dot_general3A = arith.constant dense<0.000000e+00> : vector<2000x128xf32>
      %dot_general3A_42 = tpu.matmul %max3A_38, %get3A_41, %dot_general3A {dimension_numbers = #tpu.dot_dimension_numbers<[1], [0], [0], [1], [0, 0, 1, 1], [], []>, transpose_lhs_hint = false} : vector<2000x128xf32>, vector<128x128xf32>, vector<2000x128xf32> -> vector<2000x128xf32>
      %get3A_43 = arith.constant 0 : index
      %get3A_44 = arith.constant 0 : index
      %get3A_45 = vector.load %arg11[%get3A_43, %get3A_44] : memref<1x128xf32, #tpu.memory_space<vmem>>, vector<1x128xf32>
      %add3A_46 = vector.broadcast %get3A_45 : vector<1x128xf32> to vector<2000x128xf32>
      %add3A_47 = arith.addf %dot_general3A_42, %add3A_46 : vector<2000x128xf32>
      %swap3A = arith.constant 0 : index
      %swap3A_48 = arith.constant 0 : index
      %swap3A_49 = vector.load %arg12[%swap3A, %swap3A_48] : memref<2000x128xf32, #tpu.memory_space<vmem>>, vector<2000x128xf32>
      tpu.vector_store %arg12[%swap3A, %swap3A_48], %add3A_47 {strides = array<i32>} : memref<2000x128xf32, #tpu.memory_space<vmem>>, vector<2000x128xf32>,
    } else {
    }
    return
  }
  func.func @transform_0(%arg0: i32, %arg1: i32) -> (i32, i32) {
    %c0_i32 = arith.constant 0 : i32
    %c0_i32_0 = arith.constant 0 : i32
    %c0_i32_1 = arith.constant 0 : i32
    return %c0_i32, %c0_i32_0 : i32, i32
  }
  func.func @transform_1(%arg0: i32, %arg1: i32) -> (i32, i32) {
    %sub3A = arith.constant 1 : i32
    %sub3A_0 = arith.subi %sub3A, %arg0 : i32
    %mul3A = arith.muli %arg1, %sub3A_0 : i32
    %c0_i32 = arith.constant 0 : i32
    %c0_i32_1 = arith.constant 0 : i32
    return %mul3A, %c0_i32 : i32, i32
  }
  func.func @transform_2(%arg0: i32, %arg1: i32) -> (i32, i32) {
    %sub3A = arith.constant 1 : i32
    %sub3A_0 = arith.subi %sub3A, %arg0 : i32
    %mul3A = arith.muli %arg1, %sub3A_0 : i32
    %c0_i32 = arith.constant 0 : i32
    %c0_i32_1 = arith.constant 0 : i32
    return %mul3A, %c0_i32 : i32, i32
  }
  func.func @transform_3(%arg0: i32, %arg1: i32) -> (i32, i32) {
    %sub3A = arith.constant 1 : i32
    %sub3A_0 = arith.subi %sub3A, %arg0 : i32
    %mul3A = arith.muli %arg1, %sub3A_0 : i32
    %c0_i32 = arith.constant 0 : i32
    %c0_i32_1 = arith.constant 0 : i32
    return %mul3A, %c0_i32 : i32, i32
  }
  func.func @transform_4(%arg0: i32, %arg1: i32) -> (i32, i32) {
    %c0_i32 = arith.constant 0 : i32
    %c0_i32_0 = arith.constant 0 : i32
    %c0_i32_1 = arith.constant 0 : i32
    return %c0_i32, %c0_i32_0 : i32, i32
  }
  func.func @transform_5(%arg0: i32, %arg1: i32) -> (i32, i32) {
    %c0_i32 = arith.constant 0 : i32
    %c0_i32_0 = arith.constant 0 : i32
    %c0_i32_1 = arith.constant 0 : i32
    return %c0_i32, %c0_i32_0 : i32, i32
  }
  func.func @transform_6(%arg0: i32, %arg1: i32) -> (i32, i32) {
    %c0_i32 = arith.constant 0 : i32
    %c0_i32_0 = arith.constant 0 : i32
    %c0_i32_1 = arith.constant 0 : i32
    return %c0_i32, %c0_i32_0 : i32, i32
  }
  func.func @transform_7(%arg0: i32, %arg1: i32) -> (i32, i32) {
    %c0_i32 = arith.constant 0 : i32
    %c0_i32_0 = arith.constant 0 : i32
    %c0_i32_1 = arith.constant 0 : i32
    return %c0_i32, %c0_i32_0 : i32, i32
  }
  func.func @transform_8(%arg0: i32, %arg1: i32) -> (i32, i32) {
    %c0_i32 = arith.constant 0 : i32
    %c0_i32_0 = arith.constant 0 : i32
    %c0_i32_1 = arith.constant 0 : i32
    return %c0_i32, %c0_i32_0 : i32, i32
  }
  func.func @transform_9(%arg0: i32, %arg1: i32) -> (i32, i32) {
    %c0_i32 = arith.constant 0 : i32
    %c0_i32_0 = arith.constant 0 : i32
    %c0_i32_1 = arith.constant 0 : i32
    return %c0_i32, %c0_i32_0 : i32, i32
  }
  func.func @transform_10(%arg0: i32, %arg1: i32) -> (i32, i32) {
    %c0_i32 = arith.constant 0 : i32
    %c0_i32_0 = arith.constant 0 : i32
    return %arg1, %c0_i32 : i32, i32
  }
}

</mosaic_0001>

<sc_bundles>
// kernel: kernel.5.cloned.1.call-start
scs
__scs_entry_jumppad:
0x0: {  	(pc) =	sbr.rel $0x88, $3  }
0x1: {  	(tag) =	ssettag $0x0;
	lr =	simm.s32 $0x1  }
0x2: {  	[smem:$0x3F96] =	sst lr;
	_ =	strace $0xD0000000  }
0x3: {  	_ = 	snop  }
0x4: {  	_ = 	snop  }
0x5: {  	_ = 	snop  }
0x6: {  	_ = 	snop  }
0x7: {  	_ = 	snop  }
__scs_overlays_trampoline_lowered:
0x8: {  	[smem:$0x3FA5] =	sst s0  }
0x9: {  	[smem:$0x3FA6] =	sst s1  }
0xa: {  	[smem:$0x3FA7] =	sst s2  }
0xb: {  	[smem:$0x3FA8] =	sst s3  }
0xc: {  	[smem:$0x3FA9] =	sst s4  }
0xd: {  	[smem:$0x3FAA] =	sst s5  }
0xe: {  	[smem:$0x3FAB] =	sst s6  }
0xf: {  	[smem:$0x3FAC] =	sst s7  }
0x10: {  	[smem:$0x3FAD] =	sst s8  }
0x11: {  	[smem:$0x3FAE] =	sst s9;
	s0 =	simm.s32 @!p0 $0x0  }
0x12: {  	s1 =	sld [smem:$0x3F94];
	s0 =	simm.s32 @p0 $0x1  }
0x13: {  	[smem:$0x3FAF] =	sst s0;
	s0 =	simm.s32 @!p1 $0x0  }
0x14: {  	s2 =	sld [smem:$0x3F93];
	s0 =	simm.s32 @p1 $0x1  }
0x15: {  	[smem:$0x3FB0] =	sst s0;
	s0 =	simm.s32 @!p2 $0x0  }
0x16: {  	s3 =	sld [smem:$0x3FDB];
	s0 =	simm.s32 @p2 $0x1  }
0x17: {  	s4 =	simm.s32 $0x1BF5;
	[smem:$0x3FB2] =	sst s0  }
0x18: {  	s0 =	sld [smem:$0x3F95];
	_ =	swait.ge [sflag:s4], $0x0  }
0x19: {  	s7 =	sld [smem:$0x3F96]  }
0x1a: {  	s8 =	sadd.s32 $0xFFFFE003, lr  }
0x1b: {  	s9 =	sadd.s32 $0xFFFFFEF7, lr;
	s5 =	simm.s32 $0xFFFFFFFF;
	p2 =	slt.u32 s8, $0xFFFFF086  }
0x1c: {  	p1 =	slt.u32 s9, $0xF7A;
	s5 =	simm.s32 @!p2 $0x0  }
0x1d: {  	s5 =	simm.s32 @p1 $0x1;
	p0 =	seq.s32 s7, s2  }
0x1e: {  	s7 =	smul.u32 @!p0 $0xF7A, s2;
	p2 =	seq.s32 @!p0 s5, $0x0  }
0x1f: {  	s9 =	smul.u32 $0xF7A, s1;
	s8 =	simm.s32 @!p0 $0x1BF5;
	p2 =	por !p2, p0  }
0x20: {  	[sflag:s8] =	ssyncset.s32 @!p0 $0xFFFFF086;
	s6 =	sadd.s32 @!p0 s3, s7;
	s7 =	simm.s32 @!p0 $0x108  }
0x21: {  	s3 =	sadd.s32 s3, s9;
	s6 =	sadd.s32 @!p0 $0x88, s6;
	s7 =	simm.s32 @p2 $0x1082  }
0x22: {  	[simem:s7], [sflag:s8] =	dma.local @!p0 [hbm:s6], $0xF7A  }
0x23: {  	s9 =	sor.u32 $0xD0000000, s2;
	s6 =	simm.s32 $0x108;
	_ =	swait.ge @!p0 [sflag:s8], $0x0  }
0x24: {  	s3 =	sadd.s32 $0x88, s3;
	s6 =	simm.s32 @!p1 $0x1082;
	[sflag:s4] =	ssyncset.s32 $0xFFFFF086  }
0x25: {  	[simem:s6], [sflag:s4] =	dma.local [hbm:s3], $0xF7A  }
0x26: {  	[smem:$0x3F96] =	sst s1;
	(tag) =	ssettag s2;
	_ =	strace s9  }
0x27: {  	s1 =	sld [smem:$0x3FA6]  }
0x28: {  	s2 =	sld [smem:$0x3FA7]  }
0x29: {  	s4 =	sld [smem:$0x3FA9]  }
0x2a: {  	p0 =	seq.s32 s5, $0x0;
	s5 =	sld [smem:$0x3FAA]  }
0x2b: {  	s6 =	sld [smem:$0x3FAB]  }
0x2c: {  	s7 =	sld [smem:$0x3FAC]  }
0x2d: {  	s3 =	simm.s32 $0x108;
	s8 =	sld [smem:$0x3FAD]  }
0x2e: {  	s3 =	simm.s32 @!p0 $0x1082;
	s9 =	sld [smem:$0x3FAE]  }
0x2f: {  	lr =	sadd.s32 s0, s3;
	s0 =	sld [smem:$0x3FA5]  }
0x30: {  	s3 =	sld [smem:$0x3FA8]  }
0x31: {  	[smem:$0x3FB1] =	sst s10  }
0x32: {  	s10 =	sld [smem:$0x3FAF];
	_ =	sdelay $0x3  }
0x33: {  	p0 =	seq.s32 s10, $0x1;
	s10 =	sld [smem:$0x3FB1];
	_ =	sdelay $0x3  }
0x34: {  	[smem:$0x3FB1] =	sst s10  }
0x35: {  	s10 =	sld [smem:$0x3FB0];
	_ =	sdelay $0x3  }
0x36: {  	p1 =	seq.s32 s10, $0x1;
	s10 =	sld [smem:$0x3FB1];
	_ =	sdelay $0x3  }
0x37: {  	[smem:$0x3FB1] =	sst s10  }
0x38: {  	s10 =	sld [smem:$0x3FB2]  }
0x39: {  	_ = 	snop;
	(pc) =	sbr.ind lr, $3  }
0x3a: {  	_ = 	snop  }
0x3b: {  	_ = 	snop  }
0x3c: {  	p2 =	seq.s32 s10, $0x1;
	s10 =	sld [smem:$0x3FB1]  }
0x3d: {  	_ =	shalt  }
0x3e: {  	_ =	shalt  }
0x3f: {  	_ =	shalt  }
0x40: {  	_ =	shalt  }
0x41: {  	_ =	shalt  }
0x42: {  	_ =	shalt  }
0x43: {  	_ =	shalt  }
0x44: {  	_ =	shalt  }
0x45: {  	_ =	shalt  }
0x46: {  	_ =	shalt  }
0x47: {  	_ =	shalt  }
0x48: {  	_ =	shalt  }
0x49: {  	_ =	shalt  }
0x4a: {  	_ =	shalt  }
0x4b: {  	_ =	shalt  }
0x4c: {  	_ =	shalt  }
0x4d: {  	_ =	shalt  }
0x4e: {  	_ =	shalt  }
0x4f: {  	_ =	shalt  }
0x50: {  	_ =	shalt  }
0x51: {  	_ =	shalt  }
0x52: {  	_ =	shalt  }
0x53: {  	_ =	shalt  }
0x54: {  	_ =	shalt  }
0x55: {  	_ =	shalt  }
0x56: {  	_ =	shalt  }
0x57: {  	_ =	shalt  }
0x58: {  	_ =	shalt  }
0x59: {  	_ =	shalt  }
0x5a: {  	_ =	shalt  }
0x5b: {  	_ =	shalt  }
0x5c: {  	_ =	shalt  }
0x5d: {  	_ =	shalt  }
0x5e: {  	_ =	shalt  }
0x5f: {  	_ =	shalt  }
0x60: {  	_ =	shalt  }
0x61: {  	_ =	shalt  }
0x62: {  	_ =	shalt  }
0x63: {  	_ =	shalt  }
0x64: {  	_ =	shalt  }
0x65: {  	_ =	shalt  }
0x66: {  	_ =	shalt  }
0x67: {  	_ =	shalt  }
0x68: {  	_ =	shalt  }
0x69: {  	_ =	shalt  }
0x6a: {  	_ =	shalt  }
0x6b: {  	_ =	shalt  }
0x6c: {  	_ =	shalt  }
0x6d: {  	_ =	shalt  }
0x6e: {  	_ =	shalt  }
0x6f: {  	_ =	shalt  }
0x70: {  	_ =	shalt  }
0x71: {  	_ =	shalt  }
0x72: {  	_ =	shalt  }
0x73: {  	_ =	shalt  }
0x74: {  	_ =	shalt  }
0x75: {  	_ =	shalt  }
0x76: {  	_ =	shalt  }
0x77: {  	_ =	shalt  }
0x78: {  	_ =	shalt  }
0x79: {  	_ =	shalt  }
0x7a: {  	_ =	shalt  }
0x7b: {  	_ =	shalt  }
0x7c: {  	_ =	shalt  }
0x7d: {  	_ =	shalt  }
0x7e: {  	_ =	shalt  }
0x7f: {  	_ =	shalt  }
0x80: {  	_ =	shalt  }
0x81: {  	_ =	shalt  }
0x82: {  	_ =	shalt  }
0x83: {  	_ =	shalt  }
0x84: {  	_ =	shalt  }
0x85: {  	_ =	shalt  }
0x86: {  	_ =	shalt  }
0x87: {  	_ =	shalt  }
.Lfunc_end0:
.L_simem_size_0:
called_computation_lowered:
.L_overlay_start_0:
0x88: {  	s2 =	sld [smem:$0x3FD9]  }
0x89: {  	s3 =	sld [smem:$0x3FFE];
	_ =	sdelay $0x1  }
0x8a: {  	s1 =	srdreg.scid  }
0x8b: {  	s0 =	sand.u32 $0x1, s1  }
0x8c: {  	s17 =	sshll.u32 s0, $0xA;
	s2 =	sadd.s32 s3, s2  }
0x8d: {  	s2 =	sadd.s32 s2, s17  }
0x8e: {  	[smem:$0x3FBD] =	sst s2  }
0x8f: {  	_ = 	snop  }
0x90: {  	s2 =	sld [smem:$0x3FD0];
	(tm) =	ssettm $0x1  }
0x91: {  	s18 =	sld [smem:$0x3FFB];
	_ =	sdelay $0x3  }
0x92: {  	_ =	strace s18  }
0x93: {  	s3 =	sld [smem:$0x3FFC];
	_ =	sdelay $0x3  }
0x94: {  	_ =	strace s3  }
0x95: {  	s3 =	sld [smem:$0x3FFD];
	_ =	sdelay $0x3  }
0x96: {  	_ =	strace s3  }
0x97: {  	_ =	strace $0x8FFFFFFF  }
0x98: {  	s19 =	sld [smem:$0x3FDB];
	_ =	sdelay $0x1  }
0x99: {  	s4 =	simm.s32 $_scs_section_size  }
0x9a: {  	s5 =	simm.s32 $_size__tile_overlayer_lowered;
	s6 =	simm.s32 $_tile_overlayer_lowered  }
0x9b: {  	s22 =	simm.s32 $0x1BFF;
	s21 =	sshll.u32 s6, $0x1;
	s3 =	sadd.s32 s4, s19  }
0x9c: {  	s7 =	simm.s32 $0x0;
	s20 =	sshll.u32 s5, $0x1;
	s5 =	sadd.s32 s21, s3  }
0x9d: {  	[timem:s7], [sflag:s22] =	dma.local [hbm:s5], s20  }
0x9e: {  	_ =	swait.ge [sflag:s22], s20  }
0x9f: {  	s4 =	ssub.s32 $0x0, s20;
	[sflag:s22] =	ssyncset.done $0x0  }
0xa0: {  	[sflag:s22] =	ssyncadd.s32 s4;
	_ =	sdelay $0x1  }
0xa1: {  	s23 =	simm.s32 $0x1B8B  }
0xa2: {  	_ =	swait.ge [sflag:s23], $0x1  }
0xa3: {  	[sflag:s23] =	ssyncset.done $0x0  }
0xa4: {  	s25 =	simm.s32 $0x1B8E;
	s24 =	sld [smem:$0x3FFE];
	[sflag:s23] =	ssyncadd.s32 $0xFFFFFFFF  }
0xa5: {  	s26 =	simm.s32 $execute0_lowered;
	[smem:$0x3FD2] =	sst s25  }
0xa6: {  	s5 =	sshll.u32 s26, $0x1;
	_ =	strace $0x80000046;
	[dreg:$0x1] =	wrdreg $0xFFFFFFFF  }
0xa7: {  	s28 =	simm.s32 $_size_execute0_lowered;
	s3 =	sadd.s32 s3, s5;
	[dreg:$0x0] =	wrdreg $0x0  }
0xa8: {  	s5 =	sshll.u32 s28, $0x1;
	[dreg:$0x2] =	wrdreg s3  }
0xa9: {  	[dreg:$0x3] =	wrdreg s5  }
0xaa: {  	[dreg:$0x4] =	wrdreg $0xC0  }
0xab: {  	_ =	task [dreg:s7], $0x5FFFF  }
0xac: {  	[dreg:$0x1] =	wrdreg $0xFFFFFFFF  }
0xad: {  	[dreg:$0x0] =	wrdreg $0x60  }
0xae: {  	[dreg:$0x2] =	wrdreg s24  }
0xaf: {  	[dreg:$0x3] =	wrdreg s2  }
0xb0: {  	[dreg:$0x4] =	wrdreg $0xA8000  }
0xb1: {  	[dreg:$0x5] =	wrdreg $0x9  }
0xb2: {  	_ =	task.clear_ibuf [dreg:s7], $0x6FFFF;
	_ =	strace $0x90000046  }
0xb3: {  	s29 =	simm.s32 $0x9;
	_ =	strace $0x80000048  }
0xb4: {  	_ =	swait.ge [sflag:s29], $0x1  }
0xb5: {  	[sflag:s29] =	ssyncadd.s32 $0xFFFFFFFF  }
0xb6: {  	_ =	strace $0x90000048  }
0xb7: {  	_ =	sfence  }
0xb8: {  	s30 =	sld [smem:$0x0];
	_ =	sdelay $0x2  }
0xb9: {  	s31 =	sshll.u32 s1, $0xD;
	s1 =	sshrl.u32 s1, $0x2  }
0xba: {  	s3 =	sand.u32 $0x4000, s31;
	s1 =	sadd.s32 s1, s30  }
0xbb: {  	s0 =	sor.u32 s3, s0;
	s1 =	sshll.u32 s1, $0x11  }
0xbc: {  	s0 =	sor.u32 s1, s0  }
0xbd: {  	s0 =	sadd.s32 $0x8F2B, s0  }
0xbe: {  	[sflag:s0] =	ssyncadd.remote.s32 $0x1  }
0xbf: {  	_ =	sfence.sel $0xFFFF  }
0xc0: {  	[dreg:$0x0] =	wrdreg $0xFFFFFFFF;
	(pc) =	sbr.abs _section_cstart, $3  }
0xc1: {  	[dreg:$0x1] =	wrdreg $0xFFFFFFFF  }
0xc2: {  	_ =	task.clear_ibuf [dreg:s7], $0x2FFFF;
	_ =	strace $0x9FFFFFFF  }
0xc3: {  	(tm) =	ssettm $0x7FFFFFFF  }
tec
execute0_lowered:
.L_overlay_start_1:
0x0: {  	(tag) =	ssettag $0x1  }
0x1: {  	s0 =	rddreg [dreg:$0x0]  }
0x2: {  	s2 =	rddreg [dreg:$0x1]  }
0x3: {  	s1 =	rddreg [dreg:$0x2];
	s3 =	simm.s32 $0x0;
	s5 =	srdreg.scid  }
0x4: {  	s20 =	stileid.u32;
	s28 =	simm.s32 $0x2;
	s29 =	simm.s32 $0x3  }
0x5: {  	s30 =	simm.s32 $0x4;
	s31 =	simm.s32 $0x2700;
	s13 =	smul.u32 $0x4F000, s20  }
0x6: {  	[smem:$0x7FF] =	sst s3;
	s4 =	sadd.s32 $0xB400, s0;
	s11 =	smul.u32 $0x278, s20  }
0x7: {  	s6 =	sand.u32 $0x1, s5;
	s10 =	sadd.s32 $0x1400, s0;
	s23 =	smul.u32 $0x2800, s20  }
0x8: {  	p0 =	seq.s32 s20, $0xF;
	s7 =	smul.u32 $0x27100, s6;
	s8 =	ssub.s32 $0x2, s6  }
0x9: {  	_ =	strace $0x80000047;
	s14 =	smul.u32 $0x28000, s6;
	s9 =	sshrl.u32 s8, $0x1  }
0xa: {  	s5 =	sshrl.u32 s13, $0x2;
	s16 =	sadd.s32 $0x80, s11;
	s17 =	sadd.s32 $0x100, s11  }
0xb: {  	s18 =	sadd.s32 $0x180, s11;
	s19 =	sadd.s32 $0x200, s11;
	s0 =	sadd.s32 s7, s0  }
0xc: {  	s15 =	ssub.s32 s8, s9;
	s5 =	sadd.s32 s5, s1;
	s21 =	sshll.u32 s16, $0x7  }
0xd: {  	s22 =	sshll.u32 s17, $0x7;
	s12 =	sshll.u32 s18, $0x7;
	s9 =	sadd.s32 s23, s14  }
0xe: {  	s11 =	sshll.u32 s19, $0x7;
	s6 =	sadd.s32 s21, s1;
	s7 =	sadd.s32 s22, s1  }
0xf: {  	s8 =	sadd.s32 s12, s1;
	s24 =	sshrl.u32 s9, $0x3;
	s9 =	sadd.s32 s11, s1  }
0x10: {  	s14 =	sadd.s32 $0xA7800, s0;
	s0 =	smul.u32 $0x2780, s20;
	s15 =	smax.u32 s15, $0x1  }
0x11: {  	s20 =	simm.s32 $0x6800;
	s25 =	sadd.s32 s2, s24;
	s13 =	sadd.s32 $0x280, s24  }
0x12: {  	s26 =	sadd.s32 s10, s24;
	s24 =	sshll.u32 s18, $0x4;
	[dreg:$0x4] =	wrdreg s25  }
0x13: {  	s18 =	simm.s32 $0x1400;
	[dreg:$0x5] =	wrdreg s26;
	s2 =	sadd.s32 s2, s13  }
0x14: {  	s13 =	sadd.s32 s10, s13;
	s10 =	sshll.u32 s17, $0x4;
	s25 =	sshll.u32 s19, $0x4  }
0x15: {  	s17 =	simm.s32 $0x5;
	s19 =	simm.s32 $0x80;
	s21 =	sadd.s32 @!p0 s0, s14  }
0x16: {  	s24 =	sadd.s32 @!p0 s24, s14;
	s26 =	simm.s32 $0x1;
	s0 =	simm.s32 $0x2780  }
0x17: {  	[dreg:$0x6] =	wrdreg s2;
	s2 =	sshll.u32 s16, $0x4;
	s16 =	simm.s32 $0x2800  }
0x18: {  	v0 =	vimm.f32 $0.0e+00;
	s23 =	sadd.s32 @!p0 s10, s14;
	s25 =	sadd.s32 @!p0 s25, s14;
	s22 =	sadd.s32 @!p0 s2, s14  }
.LBB2_1:
0x19: {  	s2 =	simm.s32 $0x0;
	s10 =	simm.s32 $0x200  }
.LBB2_2:
0x1a: {  	p1 =	sne.s32 s10, $0xFE00;
	[tilespmem:s2+$0x2870] =	vst v0  }
0x1b: {  	[tilespmem:s2+$0x2800] =	vst v0  }
0x1c: {  	[tilespmem:s2+$0x2810] =	vst v0  }
.Ltmp0:
0x1d: {  	[tilespmem:s2+$0x2820] =	vst v0;
	(pc) =	sbr.rel @p1 .LBB2_2-.Ltmp0, $4  }
0x1e: {  	[tilespmem:s2+$0x2830] =	vst v0  }
0x1f: {  	[tilespmem:s2+$0x2840] =	vst v0  }
0x20: {  	[tilespmem:s2+$0x2850] =	vst v0  }
0x21: {  	[tilespmem:s2+$0x2860] =	vst v0;
	s2 =	sshra.s32 s10, $0x2;
	s10 =	sadd.s32 $0x200, s10  }
0x22: {  	[tilespmem:s2+$0x2870] =	vst v0  }
0x23: {  	[tilespmem:s2+$0x2800] =	vst v0  }
0x24: {  	[tilespmem:s2+$0x2810] =	vst v0  }
0x25: {  	[tilespmem:s2+$0x2820] =	vst v0  }
0x26: {  	[tilespmem:s2+$0x2830] =	vst v0  }
0x27: {  	[tilespmem:s2+$0x2840] =	vst v0  }
0x28: {  	[tilespmem:s2+$0x2850] =	vst v0  }
0x29: {  	[tilespmem:s2+$0x2860] =	vst v0  }
0x2a: {  	[spmem:s5] =	stream.linear.scatter [tilespmem:s16], [sflag:$0x5], $0x4000, $0x38;
	[tilespmem:$0x1E400] =	vst v63  }
0x2b: {  	_ =	swait.ge [sflag:s17], $0x4000  }
0x2c: {  	[sflag:s17] =	ssyncset.done $0x0  }
0x2d: {  	[sflag:s17] =	ssyncadd.s32 $0xFFFFC000  }
0x2e: {  	[spmem:s6] =	stream.linear.scatter [tilespmem:s16], [sflag:$0x5], $0x4000, $0x38;
	[tilespmem:$0x1E400] =	vst v63  }
0x2f: {  	_ =	swait.ge [sflag:s17], $0x4000  }
0x30: {  	[sflag:s17] =	ssyncset.done $0x0  }
0x31: {  	[sflag:s17] =	ssyncadd.s32 $0xFFFFC000  }
0x32: {  	[spmem:s7] =	stream.linear.scatter [tilespmem:s16], [sflag:$0x5], $0x4000, $0x38;
	[tilespmem:$0x1E400] =	vst v63  }
0x33: {  	_ =	swait.ge [sflag:s17], $0x4000  }
0x34: {  	[sflag:s17] =	ssyncset.done $0x0  }
0x35: {  	[sflag:s17] =	ssyncadd.s32 $0xFFFFC000  }
0x36: {  	[spmem:s8] =	stream.linear.scatter [tilespmem:s16], [sflag:$0x5], $0x4000, $0x38;
	[tilespmem:$0x1E400] =	vst v63  }
0x37: {  	_ =	swait.ge [sflag:s17], $0x4000  }
0x38: {  	[sflag:s17] =	ssyncset.done $0x0  }
0x39: {  	[sflag:s17] =	ssyncadd.s32 $0xFFFFC000  }
0x3a: {  	[spmem:s9] =	stream.linear.scatter [tilespmem:s16], [sflag:$0x5], $0x3C00, $0x38;
	[tilespmem:$0x1E400] =	vst v63  }
0x3b: {  	_ =	swait.ge [sflag:s17], $0x3C00  }
0x3c: {  	[sflag:s17] =	ssyncset.done $0x0  }
0x3d: {  	s11 =	simm.s32 $0x0;
	s10 =	rddreg [dreg:$0x4];
	[sflag:s17] =	ssyncadd.s32 $0xFFFFC400  }
0x3e: {  	[tilespmem:s11], [sflag:$0x5] =	stream.linear.gather [hbm4b:s10+s11], $0x1400, $0x38;
	[tilespmem:$0x1E400] =	vst v63  }
0x3f: {  	_ =	swait.ge [sflag:s17], $0x1400  }
0x40: {  	[sflag:s17] =	ssyncset.done $0x0  }
0x41: {  	s12 =	rddreg [dreg:$0x5];
	[sflag:s17] =	ssyncadd.s32 $0xFFFFEC00  }
0x42: {  	[tilespmem:s18], [sflag:$0x5] =	stream.linear.gather [hbm4b:s12+s11], $0x1400, $0x38;
	[tilespmem:$0x1E400] =	vst v63  }
0x43: {  	_ =	swait.ge [sflag:s17], $0x1400  }
0x44: {  	[sflag:s17] =	ssyncset.done $0x0  }
0x45: {  	[sflag:s17] =	ssyncadd.s32 $0xFFFFEC00  }
0x46: {  	[tilespmem:s16], [sflag:$0x1] =	stream.indirect.gather [hbm4b:s4+s19], $0x80, s11, s19, $0xb8;
	[tilespmem:$0x1E400] =	vst v63  }
0x47: {  	_ = 	snop  }
0x48: {  	[tilespmem:s20], [sflag:$0x2] =	stream.indirect.gather [hbm4b:s4+s19], $0x80, s19, s19, $0xb8;
	[tilespmem:$0x1E400] =	vst v63  }
0x49: {  	[bflag:$0x0] =	sbarrier.arrive $0xFFFF  }
0x4a: {  	_ =	swait.ge [sflag:s26], $0x4000  }
0x4b: {  	[sflag:s26] =	ssyncset.done $0x0  }
0x4c: {  	s10 =	simm.s32 $0x1400;
	[sflag:s26] =	ssyncadd.s32 $0xFFFFC000  }
0x4d: {  	[spmem:s1] =	stream.indirect.scatter.add.f32 [tilespmem:s16], [sflag:$0x3], $0x80, s10, s19, $0xb8;
	[tilespmem:$0x1E400] =	vst v63  }
0x4e: {  	_ =	swait.ge [sflag:s28], $0x4000  }
0x4f: {  	[sflag:s28] =	ssyncset.done $0x0  }
0x50: {  	s11 =	simm.s32 $0x1480;
	[sflag:s28] =	ssyncadd.s32 $0xFFFFC000  }
0x51: {  	[spmem:s1] =	stream.indirect.scatter.add.f32 [tilespmem:s20], [sflag:$0x4], $0x80, s11, s19, $0xb8;
	[tilespmem:$0x1E400] =	vst v63  }
0x52: {  	_ =	swait.ge [sflag:s29], $0x4000  }
0x53: {  	[sflag:s29] =	ssyncset.done $0x0  }
0x54: {  	s12 =	simm.s32 $0x100;
	[sflag:s29] =	ssyncadd.s32 $0xFFFFC000  }
0x55: {  	[tilespmem:s16], [sflag:$0x1] =	stream.indirect.gather [hbm4b:s4+s19], $0x80, s12, s19, $0xb8;
	[tilespmem:$0x1E400] =	vst v63  }
0x56: {  	_ =	swait.ge [sflag:s30], $0x4000  }
0x57: {  	[sflag:s30] =	ssyncset.done $0x0  }
0x58: {  	s2 =	simm.s32 $0x400;
	s10 =	simm.s32 $0x180;
	[sflag:s30] =	ssyncadd.s32 $0xFFFFC000  }
.LBB2_4:
0x59: {  	[tilespmem:s20], [sflag:$0x2] =	stream.indirect.gather [hbm4b:s4+s19], $0x80, s10, s19, $0xb8;
	[tilespmem:$0x1E400] =	vst v63  }
0x5a: {  	s10 =	smov.u32 s2  }
0x5b: {  	p1 =	sne.s32 s2, $0x4800;
	s2 =	sadd.s32 $0x400, s2;
	_ =	swait.ge [sflag:s26], $0x4000  }
0x5c: {  	s10 =	sshra.s32 s10, $0x2;
	[sflag:s26] =	ssyncset.done $0x0  }
0x5d: {  	s11 =	sadd.s32 $0x1400, s10;
	[sflag:s26] =	ssyncadd.s32 $0xFFFFC000  }
0x5e: {  	[spmem:s1] =	stream.indirect.scatter.add.f32 [tilespmem:s16], [sflag:$0x3], $0x80, s11, s19, $0xb8;
	[tilespmem:$0x1E400] =	vst v63  }
0x5f: {  	_ =	swait.ge [sflag:s28], $0x4000  }
0x60: {  	[sflag:s28] =	ssyncset.done $0x0  }
0x61: {  	s11 =	sadd.s32 $0x1480, s10;
	[sflag:s28] =	ssyncadd.s32 $0xFFFFC000  }
0x62: {  	[spmem:s1] =	stream.indirect.scatter.add.f32 [tilespmem:s20], [sflag:$0x4], $0x80, s11, s19, $0xb8;
	[tilespmem:$0x1E400] =	vst v63  }
0x63: {  	_ =	swait.ge [sflag:s29], $0x4000  }
0x64: {  	[sflag:s29] =	ssyncset.done $0x0  }
.Ltmp1:
0x65: {  	s11 =	sadd.s32 $0x100, s10;
	[sflag:s29] =	ssyncadd.s32 $0xFFFFC000;
	(pc) =	sbr.rel @p1 .LBB2_4-.Ltmp1, $4  }
0x66: {  	[tilespmem:s16], [sflag:$0x1] =	stream.indirect.gather [hbm4b:s4+s19], $0x80, s11, s19, $0xb8;
	[tilespmem:$0x1E400] =	vst v63  }
0x67: {  	_ =	swait.ge [sflag:s30], $0x4000  }
0x68: {  	[sflag:s30] =	ssyncset.done $0x0  }
0x69: {  	s10 =	sadd.s32 $0x180, s10;
	[sflag:s30] =	ssyncadd.s32 $0xFFFFC000  }
0x6a: {  	[tilespmem:s20], [sflag:$0x2] =	stream.indirect.gather [hbm4b:s4+s19], $0x80, s10, s19, $0xb8;
	[tilespmem:$0x1E400] =	vst v63  }
0x6b: {  	_ =	swait.ge [sflag:s26], $0x4000  }
0x6c: {  	[sflag:s26] =	ssyncset.done $0x0  }
0x6d: {  	[sflag:s26] =	ssyncadd.s32 $0xFFFFC000  }
0x6e: {  	[spmem:s1] =	stream.indirect.scatter.add.f32 [tilespmem:s16], [sflag:$0x3], $0x80, s31, s19, $0xb8;
	[tilespmem:$0x1E400] =	vst v63  }
0x6f: {  	_ =	swait.ge [sflag:s28], $0x4000  }
0x70: {  	[sflag:s28] =	ssyncset.done $0x0  }
0x71: {  	[sflag:s28] =	ssyncadd.s32 $0xFFFFC000  }
0x72: {  	[spmem:s1] =	stream.indirect.scatter.add.f32 [tilespmem:s20], [sflag:$0x4], $0x80, s0, s19, $0xb8;
	[tilespmem:$0x1E400] =	vst v63  }
0x73: {  	_ =	swait.ge [sflag:s29], $0x4000  }
0x74: {  	[sflag:s29] =	ssyncset.done $0x0  }
0x75: {  	[sflag:s29] =	ssyncadd.s32 $0xFFFFC000  }
0x76: {  	_ =	swait.ge [sflag:s30], $0x4000  }
0x77: {  	[sflag:s30] =	ssyncset.done $0x0  }
0x78: {  	s2 =	simm.s32 $0x0;
	s12 =	rddreg [dreg:$0x6];
	[sflag:s30] =	ssyncadd.s32 $0xFFFFC000  }
0x79: {  	[tilespmem:s2], [sflag:$0x5] =	stream.linear.gather [hbm4b:s12+s2], $0x1400, $0x38;
	[tilespmem:$0x1E400] =	vst v63  }
0x7a: {  	_ =	swait.ge [sflag:s17], $0x1400  }
0x7b: {  	[sflag:s17] =	ssyncset.done $0x0  }
0x7c: {  	[sflag:s17] =	ssyncadd.s32 $0xFFFFEC00  }
0x7d: {  	[tilespmem:s18], [sflag:$0x5] =	stream.linear.gather [hbm4b:s13+s2], $0x1400, $0x38;
	[tilespmem:$0x1E400] =	vst v63  }
0x7e: {  	_ =	swait.ge [sflag:s17], $0x1400  }
0x7f: {  	[sflag:s17] =	ssyncset.done $0x0  }
0x80: {  	[sflag:s17] =	ssyncadd.s32 $0xFFFFEC00  }
0x81: {  	[tilespmem:s16], [sflag:$0x1] =	stream.indirect.gather [hbm4b:s4+s19], $0x80, s2, s19, $0xb8;
	[tilespmem:$0x1E400] =	vst v63  }
0x82: {  	_ = 	snop  }
0x83: {  	[tilespmem:s20], [sflag:$0x2] =	stream.indirect.gather [hbm4b:s4+s19], $0x80, s19, s19, $0xb8;
	[tilespmem:$0x1E400] =	vst v63  }
0x84: {  	_ =	swait.ge [sflag:s26], $0x4000  }
0x85: {  	[sflag:s26] =	ssyncset.done $0x0  }
0x86: {  	s10 =	simm.s32 $0x1400;
	[sflag:s26] =	ssyncadd.s32 $0xFFFFC000  }
0x87: {  	[spmem:s1] =	stream.indirect.scatter.add.f32 [tilespmem:s16], [sflag:$0x3], $0x80, s10, s19, $0xb8;
	[tilespmem:$0x1E400] =	vst v63  }
0x88: {  	_ =	swait.ge [sflag:s28], $0x4000  }
0x89: {  	[sflag:s28] =	ssyncset.done $0x0  }
0x8a: {  	s11 =	simm.s32 $0x1480;
	[sflag:s28] =	ssyncadd.s32 $0xFFFFC000  }
0x8b: {  	[spmem:s1] =	stream.indirect.scatter.add.f32 [tilespmem:s20], [sflag:$0x4], $0x80, s11, s19, $0xb8;
	[tilespmem:$0x1E400] =	vst v63  }
0x8c: {  	_ =	swait.ge [sflag:s29], $0x4000  }
0x8d: {  	[sflag:s29] =	ssyncset.done $0x0  }
0x8e: {  	s12 =	simm.s32 $0x100;
	[sflag:s29] =	ssyncadd.s32 $0xFFFFC000  }
0x8f: {  	[tilespmem:s16], [sflag:$0x1] =	stream.indirect.gather [hbm4b:s4+s19], $0x80, s12, s19, $0xb8;
	[tilespmem:$0x1E400] =	vst v63  }
0x90: {  	_ =	swait.ge [sflag:s30], $0x4000  }
0x91: {  	[sflag:s30] =	ssyncset.done $0x0  }
0x92: {  	s2 =	simm.s32 $0x400;
	s10 =	simm.s32 $0x180;
	[sflag:s30] =	ssyncadd.s32 $0xFFFFC000  }
.LBB2_6:
0x93: {  	[tilespmem:s20], [sflag:$0x2] =	stream.indirect.gather [hbm4b:s4+s19], $0x80, s10, s19, $0xb8;
	[tilespmem:$0x1E400] =	vst v63  }
0x94: {  	s10 =	smov.u32 s2  }
0x95: {  	p1 =	sne.s32 s2, $0x4800;
	s2 =	sadd.s32 $0x400, s2;
	_ =	swait.ge [sflag:s26], $0x4000  }
0x96: {  	s10 =	sshra.s32 s10, $0x2;
	[sflag:s26] =	ssyncset.done $0x0  }
0x97: {  	s11 =	sadd.s32 $0x1400, s10;
	[sflag:s26] =	ssyncadd.s32 $0xFFFFC000  }
0x98: {  	[spmem:s1] =	stream.indirect.scatter.add.f32 [tilespmem:s16], [sflag:$0x3], $0x80, s11, s19, $0xb8;
	[tilespmem:$0x1E400] =	vst v63  }
0x99: {  	_ =	swait.ge [sflag:s28], $0x4000  }
0x9a: {  	[sflag:s28] =	ssyncset.done $0x0  }
0x9b: {  	s11 =	sadd.s32 $0x1480, s10;
	[sflag:s28] =	ssyncadd.s32 $0xFFFFC000  }
0x9c: {  	[spmem:s1] =	stream.indirect.scatter.add.f32 [tilespmem:s20], [sflag:$0x4], $0x80, s11, s19, $0xb8;
	[tilespmem:$0x1E400] =	vst v63  }
0x9d: {  	_ =	swait.ge [sflag:s29], $0x4000  }
0x9e: {  	[sflag:s29] =	ssyncset.done $0x0  }
.Ltmp2:
0x9f: {  	s11 =	sadd.s32 $0x100, s10;
	[sflag:s29] =	ssyncadd.s32 $0xFFFFC000;
	(pc) =	sbr.rel @p1 .LBB2_6-.Ltmp2, $4  }
0xa0: {  	[tilespmem:s16], [sflag:$0x1] =	stream.indirect.gather [hbm4b:s4+s19], $0x80, s11, s19, $0xb8;
	[tilespmem:$0x1E400] =	vst v63  }
0xa1: {  	_ =	swait.ge [sflag:s30], $0x4000  }
0xa2: {  	[sflag:s30] =	ssyncset.done $0x0  }
0xa3: {  	s10 =	sadd.s32 $0x180, s10;
	[sflag:s30] =	ssyncadd.s32 $0xFFFFC000  }
0xa4: {  	[tilespmem:s20], [sflag:$0x2] =	stream.indirect.gather [hbm4b:s4+s19], $0x80, s10, s19, $0xb8;
	[tilespmem:$0x1E400] =	vst v63  }
0xa5: {  	_ =	swait.ge [sflag:s26], $0x4000  }
0xa6: {  	[sflag:s26] =	ssyncset.done $0x0  }
0xa7: {  	[sflag:s26] =	ssyncadd.s32 $0xFFFFC000  }
0xa8: {  	[spmem:s1] =	stream.indirect.scatter.add.f32 [tilespmem:s16], [sflag:$0x3], $0x80, s31, s19, $0xb8;
	[tilespmem:$0x1E400] =	vst v63  }
0xa9: {  	_ =	swait.ge [sflag:s28], $0x4000  }
0xaa: {  	[sflag:s28] =	ssyncset.done $0x0  }
0xab: {  	[sflag:s28] =	ssyncadd.s32 $0xFFFFC000  }
0xac: {  	[spmem:s1] =	stream.indirect.scatter.add.f32 [tilespmem:s20], [sflag:$0x4], $0x80, s0, s19, $0xb8;
	[tilespmem:$0x1E400] =	vst v63  }
0xad: {  	_ =	swait.ge [sflag:s29], $0x4000  }
0xae: {  	[sflag:s29] =	ssyncset.done $0x0  }
0xaf: {  	[sflag:s29] =	ssyncadd.s32 $0xFFFFC000  }
0xb0: {  	_ =	swait.ge [sflag:s30], $0x4000  }
0xb1: {  	[sflag:s30] =	ssyncset.done $0x0  }
0xb2: {  	s2 =	sadd.s32 @p0 $0x25080, s14;
	[sflag:s30] =	ssyncadd.s32 $0xFFFFC000  }
0xb3: {  	s10 =	sshrl.u32 @p0 s5, $0x3;
	s11 =	simm.s32 @p0 $0x1FC5;
	[bflag:$0x0] =	sbarrier.arrive $0xFFFF  }
0xb4: {  	[hbm:s2], [sflag:s11] =	dma.local @p0 [spmem:s10], $0x800  }
0xb5: {  	s2 =	simm.s32 @p0 $0x5  }
0xb6: {  	_ =	swait.ge @p0 [sflag:s2], $0x800  }
0xb7: {  	[sflag:s2] =	ssyncset.done @p0 $0x0  }
0xb8: {  	s12 =	sshrl.u32 @p0 s6, $0x3;
	s10 =	sadd.s32 @p0 $0x25880, s14;
	[sflag:s2] =	ssyncadd.s32 @p0 $0xFFFFF800  }
0xb9: {  	[hbm:s10], [sflag:s11] =	dma.local @p0 [spmem:s12], $0x800  }
0xba: {  	_ =	swait.ge @p0 [sflag:s2], $0x800  }
0xbb: {  	[sflag:s2] =	ssyncset.done @p0 $0x0  }
0xbc: {  	s10 =	sadd.s32 @p0 $0x26080, s14;
	s12 =	sshrl.u32 @p0 s7, $0x3;
	[sflag:s2] =	ssyncadd.s32 @p0 $0xFFFFF800  }
0xbd: {  	[hbm:s10], [sflag:s11] =	dma.local @p0 [spmem:s12], $0x800  }
0xbe: {  	_ =	swait.ge @p0 [sflag:s2], $0x800  }
0xbf: {  	[sflag:s2] =	ssyncset.done @p0 $0x0  }
0xc0: {  	s10 =	sadd.s32 @p0 $0x26880, s14;
	s12 =	sshrl.u32 @p0 s8, $0x3;
	[sflag:s2] =	ssyncadd.s32 @p0 $0xFFFFF800  }
0xc1: {  	[hbm:s10], [sflag:s11] =	dma.local @p0 [spmem:s12], $0x800  }
0xc2: {  	_ =	swait.ge @p0 [sflag:s2], $0x800  }
0xc3: {  	[sflag:s2] =	ssyncset.done @p0 $0x0  }
0xc4: {  	s10 =	sadd.s32 @p0 $0x27080, s14;
	s12 =	sshrl.u32 @p0 s9, $0x3;
	[sflag:s2] =	ssyncadd.s32 @p0 $0xFFFFF800  }
0xc5: {  	[hbm:s10], [sflag:s11] =	dma.local @p0 [spmem:s12], $0x80  }
0xc6: {  	s10 =	stileid.u32;
	_ =	swait.ge @p0 [sflag:s2], $0x80  }
0xc7: {  	s10 =	sshll.u32 @!p0 s10, $0x6;
	[sflag:s2] =	ssyncset.done @p0 $0x0  }
0xc8: {  	[sflag:s2] =	ssyncadd.s32 @p0 $0xFFFFFF80;
	s2 =	sor.u32 @!p0 $0x1C05, s10;
	s10 =	sshrl.u32 @!p0 s5, $0x3  }
0xc9: {  	[hbm:s21], [sflag:s2] =	dma.local @!p0 [spmem:s10], $0x800  }
0xca: {  	s10 =	simm.s32 @!p0 $0x5  }
0xcb: {  	_ =	swait.ge @!p0 [sflag:s10], $0x800  }
0xcc: {  	[sflag:s10] =	ssyncset.done @!p0 $0x0  }
0xcd: {  	s11 =	sshrl.u32 @!p0 s6, $0x3;
	[sflag:s10] =	ssyncadd.s32 @!p0 $0xFFFFF800  }
0xce: {  	[hbm:s22], [sflag:s2] =	dma.local @!p0 [spmem:s11], $0x800  }
0xcf: {  	_ =	swait.ge @!p0 [sflag:s10], $0x800  }
0xd0: {  	[sflag:s10] =	ssyncset.done @!p0 $0x0  }
0xd1: {  	s11 =	sshrl.u32 @!p0 s7, $0x3;
	[sflag:s10] =	ssyncadd.s32 @!p0 $0xFFFFF800  }
0xd2: {  	[hbm:s23], [sflag:s2] =	dma.local @!p0 [spmem:s11], $0x800  }
0xd3: {  	_ =	swait.ge @!p0 [sflag:s10], $0x800  }
0xd4: {  	[sflag:s10] =	ssyncset.done @!p0 $0x0  }
0xd5: {  	s11 =	sshrl.u32 @!p0 s8, $0x3;
	[sflag:s10] =	ssyncadd.s32 @!p0 $0xFFFFF800  }
0xd6: {  	[hbm:s24], [sflag:s2] =	dma.local @!p0 [spmem:s11], $0x800  }
0xd7: {  	s3 =	sadd.s32 $0x1, s3;
	_ =	swait.ge @!p0 [sflag:s10], $0x800  }
0xd8: {  	p1 =	sne.s32 s3, s15;
	[sflag:s10] =	ssyncset.done @!p0 $0x0  }
.Ltmp3:
0xd9: {  	s11 =	sshrl.u32 @!p0 s9, $0x3;
	[sflag:s10] =	ssyncadd.s32 @!p0 $0xFFFFF800;
	(pc) =	sbr.rel @p1 .LBB2_1-.Ltmp3, $4  }
0xda: {  	[hbm:s25], [sflag:s2] =	dma.local @!p0 [spmem:s11], $0x780  }
0xdb: {  	_ =	swait.ge @!p0 [sflag:s10], $0x780  }
0xdc: {  	[sflag:s10] =	ssyncset.done @!p0 $0x0  }
0xdd: {  	[sflag:s10] =	ssyncadd.s32 @!p0 $0xFFFFF880  }
0xde: {  	_ =	sfence.sel $0x180000  }
0xdf: {  	[bflag:$0x0] =	sbarrier.arrive $0xFFFF  }
0xe0: {  	_ =	strace $0x90000047  }
0xe1: {  	s0 =	stileid.u32;
	[bflag:$0x2] =	sbarrier.arrive $0xFFFF  }
0xe2: {  	p0 =	sne.s32 s0, $0x0;
	s0 =	rddreg [dreg:$0x3]  }
0xe3: {  	s0 =	sadd.s32 @!p0 $0x100000, s0  }
0xe4: {  	[sflag:s0] =	ssyncadd.tile.s32 @!p0 $0x1;
	_ =	shalt  }
.Lfunc_end2:
_tile_overlayer_lowered:
.L_overlay_start_2:
0xe5: {  	(tag) =	ssettag $0x2  }
0xe6: {  	s0 =	rddreg [dreg:$0x0];
	s2 =	stileid.u32  }
0xe7: {  	s1 =	rddreg [dreg:$0x1];
	p0 =	sne.s32 s2, $0x0  }
0xe8: {  	s3 =	rddreg [dreg:$0x2];
	[bflag:$0x3] =	sbarrier.arrive $0xFFFF;
	s2 =	simm.s32 @!p0 $0x1C05  }
0xe9: {  	[timem:s3], [sflag:s2] =	dma.local @!p0 [hbm:s0], s1  }
0xea: {  	s0 =	simm.s32 @!p0 $0x5  }
0xeb: {  	_ =	swait.ge @!p0 [sflag:s0], s1  }
0xec: {  	s1 =	ssub.s32 @!p0 $0x0, s1;
	[sflag:s0] =	ssyncset.done @!p0 $0x0  }
0xed: {  	[sflag:s0] =	ssyncadd.s32 @!p0 s1  }
0xee: {  	[bflag:$0x3] =	sbarrier.arrive $0xFFFF  }
0xef: {  	_ =	shalt  }

</sc_bundles>
